<compile_context>
chip_gen: v7x
topology: tpu7x:2x2x1
jax: 0.10.2.dev20260603
libtpu: 0.0.44.dev20260713+nightly
codegen_flags: <defaults>
</compile_context>

<pallas_src>
import functools

import jax
import jax.numpy as jnp
from jax import lax
from jax.experimental import pallas as pl
from jax.experimental.pallas import tpu as pltpu
from jax.experimental.pallas import tpu_sc as plsc

MAX_N = 118
D = 128
BATCH = 16384
SEQ = 200
N = BATCH * SEQ
NC = 2
NS = 16
NW = NC * NS
BPW = N // NW
SUB = 128
CHUNK = 256
NSUB = CHUNK // SUB
ITERS = BPW // CHUNK
IDXR_PW = BPW // SUB
IDX_PAD = 64


def _sc_gather(table, idx2d):
  mesh = plsc.VectorSubcoreMesh(core_axis_name="c", subcore_axis_name="s")

  @functools.partial(
      pl.kernel,
      mesh=mesh,
      out_type=jax.ShapeDtypeStruct((N, D), jnp.float32),
      scratch_types=[
          pltpu.VMEM((2, NSUB, SUB), jnp.int32),
          pltpu.VMEM((2, CHUNK, D), jnp.float32),
          pltpu.VMEM_SHARED((NS * 128, D), jnp.float32),
          pltpu.SemaphoreType.DMA,
          pltpu.SemaphoreType.DMA,
          pltpu.SemaphoreType.DMA,
          pltpu.SemaphoreType.DMA,
          pltpu.SemaphoreType.DMA,
          pltpu.SemaphoreType.DMA,
      ],
  )
  def body(table_hbm, idx_hbm, out_hbm, idx_v, rows_v, tab_sp,
           si0, si1, sg0, sg1, so0, so1):
    sid = lax.axis_index("s")
    wid = sid * NC + lax.axis_index("c")
    row0 = wid * BPW
    irow0 = wid * IDXR_PW
    s_idx = (si0, si1)
    s_gat = (sg0, sg1)
    s_out = (so0, so1)

    pltpu.sync_copy(table_hbm, tab_sp.at[pl.ds(sid * 128, 128)])
    plsc.subcore_barrier()

    def idx_cp(i, b):
      return pltpu.make_async_copy(
          idx_hbm.at[pl.ds(irow0 + i * NSUB, NSUB)], idx_v.at[b], s_idx[b])

    def gather_cp(b, j):
      return pltpu.make_async_copy(
          tab_sp.at[idx_v.at[b].at[j]],
          rows_v.at[b].at[pl.ds(j * SUB, SUB)],
          s_gat[b])

    def out_cp(i, b):
      return pltpu.make_async_copy(
          rows_v.at[b], out_hbm.at[pl.ds(row0 + i * CHUNK, CHUNK)], s_out[b])

    idx_cp(0, 0).start()
    idx_cp(1, 1).start()

    def step(k, carry):
      g = 2 * k
      for b in range(2):
        i = g + b
        idx_cp(i, b).wait()
        off = sid * 128
        for j in range(NSUB):
          for l in range(SUB // 16):
            sl = idx_v.at[b].at[j]
            sl[pl.ds(l * 16, 16)] = sl[pl.ds(l * 16, 16)] + off

        @pl.when(k >= 1)
        def _wait_out():
          out_cp(i - 2, b).wait()

        for j in range(NSUB):
          gather_cp(b, j).start()
        for j in range(NSUB):
          gather_cp(b, j).wait()

        @pl.when(i + 2 < ITERS)
        def _prefetch_idx():
          idx_cp(i + 2, b).start()

        out_cp(i, b).start()
      return carry

    lax.fori_loop(0, ITERS // 2, step, 0)

    for b in range(2):
      out_cp(ITERS - 2 + b, b).wait()

  return body(table, idx2d)


def kernel(inputs, embedding):
  table = jnp.zeros((128, D), jnp.float32).at[1:MAX_N + 1].set(embedding)
  idx2d = inputs.reshape(N // SUB, SUB)
  out = _sc_gather(table, idx2d)
  return out.reshape(BATCH, SEQ, D)

# --- scband reference (transcript-rebuilt; emitter-appended) ---
"""Pipeline reference for scband-chemical-embedding-28192165331140 (READ-ONLY COPY).

The authoritative reference and input builder live on the scoring server;
editing this copy changes nothing except your own understanding.
"""

import jax, jax.numpy as jnp
import numpy as np

MAX_ATOMIC_NUMBER = 118
EMBEDDING_DIM = 128
BATCH = 16384
SEQ = 200


def setup_inputs(seed: int = 0) -> dict:
    key = jax.random.key(seed)
    k1, k2 = jax.random.split(key)
    # atomic numbers are 1-based: values in [1, MAX_ATOMIC_NUMBER]
    inputs = jax.random.randint(k1, (BATCH, SEQ), 1, MAX_ATOMIC_NUMBER + 1, dtype=jnp.int32)
    # learned embedding table, init like random_normal(stddev=0.1)
    embedding = jax.random.normal(k2, (MAX_ATOMIC_NUMBER, EMBEDDING_DIM), dtype=jnp.float32) * 0.1
    return {"inputs": inputs, "embedding": embedding}


def reference(inputs, embedding):
    # faithful translation of ChemicalEmbedding.call:
    # indices = tf.cast(inputs - 1, tf.int32); tf.gather(self.embedding, indices)
    indices = (inputs - 1).astype(jnp.int32)
    return jnp.take(embedding, indices, axis=0)

if __name__ == "__main__":
    import jax
    _d = setup_inputs()
    print(jax.jit(kernel)(*tuple(_d.values())))

</pallas_src>

<mosaic_0001>
#map = affine_map<(d0, d1) -> (0, 0)>
module attributes {stable_mosaic.version = 14 : i64} {
  func.func @body(%arg0: i32, %arg1: i32, %arg2: memref<128x128xf32, #tpu.memory_space<hbm>>, %arg3: memref<25600x128xi32, #tpu.memory_space<hbm>>, %arg4: memref<3276800x128xf32, #tpu.memory_space<hbm>>, %arg5: memref<2x2x128xi32, #tpu.memory_space<vmem>>, %arg6: memref<2x256x128xf32, #tpu.memory_space<vmem>>, %arg7: memref<2048x128xf32, #tpu.memory_space<vmem_shared>>, %arg8: memref<!tpu.dma_semaphore, #tpu.memory_space<semaphore_mem>>, %arg9: memref<!tpu.dma_semaphore, #tpu.memory_space<semaphore_mem>>, %arg10: memref<!tpu.dma_semaphore, #tpu.memory_space<semaphore_mem>>, %arg11: memref<!tpu.dma_semaphore, #tpu.memory_space<semaphore_mem>>, %arg12: memref<!tpu.dma_semaphore, #tpu.memory_space<semaphore_mem>>, %arg13: memref<!tpu.dma_semaphore, #tpu.memory_space<semaphore_mem>>) attributes {dimension_semantics = [#tpu.dimension_semantics<core_parallel>, #tpu.dimension_semantics<subcore_parallel>], iteration_bounds = array<i64: 2, 16>, scalar_prefetch = 0 : i64, scratch_operands = 9 : i64, tpu.core_type = #tpu.core_type<sc_vector_subcore>, window_params = [{transform_indices = #map}, {transform_indices = #map}, {transform_indices = #map}]} {
    %mul3A = arith.constant 2 : i32
    %mul3A_0 = arith.muli %arg1, %mul3A : i32
    %add3A = arith.addi %mul3A_0, %arg0 : i32
    %mul3A_1 = arith.constant 102400 : i32
    %mul3A_2 = arith.muli %add3A, %mul3A_1 : i32
    %mul3A_3 = arith.constant 800 : i32
    %mul3A_4 = arith.muli %add3A, %mul3A_3 : i32
    %mul3A_5 = arith.constant 128 : i32
    %mul3A_6 = arith.muli %arg1, %mul3A_5 : i32
    "tpu.region"() ({
      %run_scoped3A = tpu.sem_alloc : memref<!tpu.dma_semaphore, #tpu.memory_space<semaphore_mem>>
      %dma_start3A_70 = arith.constant 0 : i32
      %dma_start3A_71 = tpu.memref_slice %arg7[%mul3A_6, %dma_start3A_70] : memref<2048x128xf32, #tpu.memory_space<vmem_shared>> -> memref<128x128xf32, #tpu.memory_space<vmem_shared>>
      tpu.enqueue_dma source(%arg2 : memref<128x128xf32, #tpu.memory_space<hbm>>) target(%dma_start3A_71 : memref<128x128xf32, #tpu.memory_space<vmem_shared>>) target_semaphore(%run_scoped3A : memref<!tpu.dma_semaphore, #tpu.memory_space<semaphore_mem>>)
      %dma_wait3A_72 = arith.constant 0 : i32
      %dma_wait3A_73 = tpu.memref_slice %arg7[%mul3A_6, %dma_wait3A_72] : memref<2048x128xf32, #tpu.memory_space<vmem_shared>> -> memref<128x128xf32, #tpu.memory_space<vmem_shared>>
      tpu.wait_dma2 semaphore(%run_scoped3A : memref<!tpu.dma_semaphore, #tpu.memory_space<semaphore_mem>>) src(%arg2 : memref<128x128xf32, #tpu.memory_space<hbm>>) dst(%dma_wait3A_73 : memref<128x128xf32, #tpu.memory_space<vmem_shared>>)
      tpu.yield
    }) : () -> ()
    %barrier3A = arith.constant 0 : index
    tpu.barrier barrier_id(%barrier3A)
    %add3A_7 = arith.constant 0 : i32
    %add3A_8 = arith.addi %mul3A_4, %add3A_7 : i32
    %dma_start3A = arith.constant 0 : i32
    %dma_start3A_9 = arith.constant 0 : i32
    %dma_start3A_10 = arith.constant 0 : i32
    %dma_start3A_11 = tpu.memref_slice %arg5[%dma_start3A, %dma_start3A_9, %dma_start3A_10] : memref<2x2x128xi32, #tpu.memory_space<vmem>> -> memref<1x2x128xi32, #tpu.memory_space<vmem>>
    %dma_start3A_12 = tpu.memref_squeeze %dma_start3A_11 : memref<1x2x128xi32, #tpu.memory_space<vmem>> -> memref<2x128xi32, #tpu.memory_space<vmem>>
    %dma_start3A_13 = arith.constant 0 : i32
    %dma_start3A_14 = tpu.memref_slice %arg3[%add3A_8, %dma_start3A_13] : memref<25600x128xi32, #tpu.memory_space<hbm>> -> memref<2x128xi32, #tpu.memory_space<hbm>>
    %dma_start3A_15 = arith.constant 0 : i32
    %dma_start3A_16 = arith.constant 0 : i32
    %dma_start3A_17 = tpu.memref_slice %arg5[%dma_start3A, %dma_start3A_15, %dma_start3A_16] : memref<2x2x128xi32, #tpu.memory_space<vmem>> -> memref<1x2x128xi32, #tpu.memory_space<vmem>>
    %dma_start3A_18 = tpu.memref_squeeze %dma_start3A_17 : memref<1x2x128xi32, #tpu.memory_space<vmem>> -> memref<2x128xi32, #tpu.memory_space<vmem>>
    %dma_start3A_19 = arith.constant 0 : i32
    %dma_start3A_20 = tpu.memref_slice %arg3[%add3A_8, %dma_start3A_19] : memref<25600x128xi32, #tpu.memory_space<hbm>> -> memref<2x128xi32, #tpu.memory_space<hbm>>
    tpu.enqueue_dma source(%dma_start3A_20 : memref<2x128xi32, #tpu.memory_space<hbm>>) target(%dma_start3A_18 : memref<2x128xi32, #tpu.memory_space<vmem>>) target_semaphore(%arg8 : memref<!tpu.dma_semaphore, #tpu.memory_space<semaphore_mem>>)
    %add3A_21 = arith.constant 2 : i32
    %add3A_22 = arith.addi %mul3A_4, %add3A_21 : i32
    %dma_start3A_23 = arith.constant 1 : i32
    %dma_start3A_24 = arith.constant 0 : i32
    %dma_start3A_25 = arith.constant 0 : i32
    %dma_start3A_26 = tpu.memref_slice %arg5[%dma_start3A_23, %dma_start3A_24, %dma_start3A_25] : memref<2x2x128xi32, #tpu.memory_space<vmem>> -> memref<1x2x128xi32, #tpu.memory_space<vmem>>
    %dma_start3A_27 = tpu.memref_squeeze %dma_start3A_26 : memref<1x2x128xi32, #tpu.memory_space<vmem>> -> memref<2x128xi32, #tpu.memory_space<vmem>>
    %dma_start3A_28 = arith.constant 0 : i32
    %dma_start3A_29 = tpu.memref_slice %arg3[%add3A_22, %dma_start3A_28] : memref<25600x128xi32, #tpu.memory_space<hbm>> -> memref<2x128xi32, #tpu.memory_space<hbm>>
    %dma_start3A_30 = arith.constant 0 : i32
    %dma_start3A_31 = arith.constant 0 : i32
    %dma_start3A_32 = tpu.memref_slice %arg5[%dma_start3A_23, %dma_start3A_30, %dma_start3A_31] : memref<2x2x128xi32, #tpu.memory_space<vmem>> -> memref<1x2x128xi32, #tpu.memory_space<vmem>>
    %dma_start3A_33 = tpu.memref_squeeze %dma_start3A_32 : memref<1x2x128xi32, #tpu.memory_space<vmem>> -> memref<2x128xi32, #tpu.memory_space<vmem>>
    %dma_start3A_34 = arith.constant 0 : i32
    %dma_start3A_35 = tpu.memref_slice %arg3[%add3A_22, %dma_start3A_34] : memref<25600x128xi32, #tpu.memory_space<hbm>> -> memref<2x128xi32, #tpu.memory_space<hbm>>
    tpu.enqueue_dma source(%dma_start3A_35 : memref<2x128xi32, #tpu.memory_space<hbm>>) target(%dma_start3A_33 : memref<2x128xi32, #tpu.memory_space<vmem>>) target_semaphore(%arg9 : memref<!tpu.dma_semaphore, #tpu.memory_space<semaphore_mem>>)
    %scan3A = arith.constant 0 : i32
    %scan3A_36 = arith.constant 0 : i32
    %scan3A_37 = arith.constant 200 : i32
    %scan3A_38 = arith.addi %scan3A_36, %scan3A_37 : i32
    %scan3A_39 = arith.constant 1 : i32
    scf.for %scan3A_70 = %scan3A_36 to %scan3A_38 step %scan3A_39  : i32 {
      %mul3A_71 = arith.constant 2 : i32
      %mul3A_72 = arith.muli %mul3A_71, %scan3A_70 : i32
      %add3A_73 = arith.constant 0 : i32
      %add3A_74 = arith.addi %mul3A_72, %add3A_73 : i32
      %mul3A_75 = arith.constant 2 : i32
      %mul3A_76 = arith.muli %add3A_74, %mul3A_75 : i32
      %add3A_77 = arith.addi %mul3A_4, %mul3A_76 : i32
      %dma_wait3A_78 = arith.constant 0 : i32
      %dma_wait3A_79 = arith.constant 0 : i32
      %dma_wait3A_80 = arith.constant 0 : i32
      %dma_wait3A_81 = tpu.memref_slice %arg5[%dma_wait3A_78, %dma_wait3A_79, %dma_wait3A_80] : memref<2x2x128xi32, #tpu.memory_space<vmem>> -> memref<1x2x128xi32, #tpu.memory_space<vmem>>
      %dma_wait3A_82 = tpu.memref_squeeze %dma_wait3A_81 : memref<1x2x128xi32, #tpu.memory_space<vmem>> -> memref<2x128xi32, #tpu.memory_space<vmem>>
      %dma_wait3A_83 = arith.constant 0 : i32
      %dma_wait3A_84 = tpu.memref_slice %arg3[%add3A_77, %dma_wait3A_83] : memref<25600x128xi32, #tpu.memory_space<hbm>> -> memref<2x128xi32, #tpu.memory_space<hbm>>
      %dma_wait3A_85 = arith.constant 0 : i32
      %dma_wait3A_86 = arith.constant 0 : i32
      %dma_wait3A_87 = tpu.memref_slice %arg5[%dma_wait3A_78, %dma_wait3A_85, %dma_wait3A_86] : memref<2x2x128xi32, #tpu.memory_space<vmem>> -> memref<1x2x128xi32, #tpu.memory_space<vmem>>
      %dma_wait3A_88 = tpu.memref_squeeze %dma_wait3A_87 : memref<1x2x128xi32, #tpu.memory_space<vmem>> -> memref<2x128xi32, #tpu.memory_space<vmem>>
      %dma_wait3A_89 = arith.constant 0 : i32
      %dma_wait3A_90 = tpu.memref_slice %arg3[%add3A_77, %dma_wait3A_89] : memref<25600x128xi32, #tpu.memory_space<hbm>> -> memref<2x128xi32, #tpu.memory_space<hbm>>
      tpu.wait_dma2 semaphore(%arg8 : memref<!tpu.dma_semaphore, #tpu.memory_space<semaphore_mem>>) src(%dma_wait3A_90 : memref<2x128xi32, #tpu.memory_space<hbm>>) dst(%dma_wait3A_88 : memref<2x128xi32, #tpu.memory_space<vmem>>)
      %mul3A_91 = arith.constant 128 : i32
      %mul3A_92 = arith.muli %arg1, %mul3A_91 : i32
      %get3A = arith.constant 0 : i32
      %get3A_93 = arith.constant 0 : i32
      %get3A_94 = arith.constant 0 : i32
      %get3A_95 = arith.constant 0 : i32
      %get3A_96 = tpu.memref_slice %arg5[%get3A, %get3A_94, %get3A_95] : memref<2x2x128xi32, #tpu.memory_space<vmem>> -> memref<1x2x128xi32, #tpu.memory_space<vmem>>
      %get3A_97 = tpu.memref_squeeze %get3A_96 : memref<1x2x128xi32, #tpu.memory_space<vmem>> -> memref<2x128xi32, #tpu.memory_space<vmem>>
      %get3A_98 = arith.constant 0 : i32
      %get3A_99 = tpu.memref_slice %get3A_97[%get3A_93, %get3A_98] : memref<2x128xi32, #tpu.memory_space<vmem>> -> memref<1x128xi32, #tpu.memory_space<vmem>>
      %get3A_100 = tpu.memref_squeeze %get3A_99 : memref<1x128xi32, #tpu.memory_space<vmem>> -> memref<128xi32, #tpu.memory_space<vmem>>
      %get3A_101 = arith.constant 0 : index
      %get3A_102 = tpu.vector_load %get3A_100[%get3A_101] {strides = array<i32>} : memref<128xi32, #tpu.memory_space<vmem>>, vector<16xi32>,
      %get3A_103 = vector.shape_cast %get3A_102 : vector<16xi32> to vector<16xi32>
      %add3A_104 = vector.broadcast %mul3A_92 : i32 to vector<16xi32>
      %add3A_105 = arith.addi %get3A_103, %add3A_104 : vector<16xi32>
      %swap3A = arith.constant 0 : i32
      %swap3A_106 = arith.constant 0 : i32
      %swap3A_107 = arith.constant 0 : i32
      %swap3A_108 = arith.constant 0 : i32
      %swap3A_109 = tpu.memref_slice %arg5[%swap3A, %swap3A_107, %swap3A_108] : memref<2x2x128xi32, #tpu.memory_space<vmem>> -> memref<1x2x128xi32, #tpu.memory_space<vmem>>
      %swap3A_110 = tpu.memref_squeeze %swap3A_109 : memref<1x2x128xi32, #tpu.memory_space<vmem>> -> memref<2x128xi32, #tpu.memory_space<vmem>>
      %swap3A_111 = arith.constant 0 : i32
      %swap3A_112 = tpu.memref_slice %swap3A_110[%swap3A_106, %swap3A_111] : memref<2x128xi32, #tpu.memory_space<vmem>> -> memref<1x128xi32, #tpu.memory_space<vmem>>
      %swap3A_113 = tpu.memref_squeeze %swap3A_112 : memref<1x128xi32, #tpu.memory_space<vmem>> -> memref<128xi32, #tpu.memory_space<vmem>>
      %swap3A_114 = arith.constant 0 : index
      %swap3A_115 = tpu.vector_load %swap3A_113[%swap3A_114] {strides = array<i32>} : memref<128xi32, #tpu.memory_space<vmem>>, vector<16xi32>,
      %swap3A_116 = vector.shape_cast %swap3A_115 : vector<16xi32> to vector<16xi32>
      %swap3A_117 = vector.shape_cast %add3A_105 : vector<16xi32> to vector<16xi32>
      tpu.vector_store %swap3A_113[%swap3A_114], %swap3A_117 {strides = array<i32>} : memref<128xi32, #tpu.memory_space<vmem>>, vector<16xi32>,
      %get3A_118 = arith.constant 0 : i32
      %get3A_119 = arith.constant 0 : i32
      %get3A_120 = arith.constant 0 : i32
      %get3A_121 = arith.constant 0 : i32
      %get3A_122 = tpu.memref_slice %arg5[%get3A_118, %get3A_120, %get3A_121] : memref<2x2x128xi32, #tpu.memory_space<vmem>> -> memref<1x2x128xi32, #tpu.memory_space<vmem>>
      %get3A_123 = tpu.memref_squeeze %get3A_122 : memref<1x2x128xi32, #tpu.memory_space<vmem>> -> memref<2x128xi32, #tpu.memory_space<vmem>>
      %get3A_124 = arith.constant 0 : i32
      %get3A_125 = tpu.memref_slice %get3A_123[%get3A_119, %get3A_124] : memref<2x128xi32, #tpu.memory_space<vmem>> -> memref<1x128xi32, #tpu.memory_space<vmem>>
      %get3A_126 = tpu.memref_squeeze %get3A_125 : memref<1x128xi32, #tpu.memory_space<vmem>> -> memref<128xi32, #tpu.memory_space<vmem>>
      %get3A_127 = arith.constant 16 : index
      %get3A_128 = tpu.vector_load %get3A_126[%get3A_127] {strides = array<i32>} : memref<128xi32, #tpu.memory_space<vmem>>, vector<16xi32>,
      %get3A_129 = vector.shape_cast %get3A_128 : vector<16xi32> to vector<16xi32>
      %add3A_130 = vector.broadcast %mul3A_92 : i32 to vector<16xi32>
      %add3A_131 = arith.addi %get3A_129, %add3A_130 : vector<16xi32>
      %swap3A_132 = arith.constant 0 : i32
      %swap3A_133 = arith.constant 0 : i32
      %swap3A_134 = arith.constant 0 : i32
      %swap3A_135 = arith.constant 0 : i32
      %swap3A_136 = tpu.memref_slice %arg5[%swap3A_132, %swap3A_134, %swap3A_135] : memref<2x2x128xi32, #tpu.memory_space<vmem>> -> memref<1x2x128xi32, #tpu.memory_space<vmem>>
      %swap3A_137 = tpu.memref_squeeze %swap3A_136 : memref<1x2x128xi32, #tpu.memory_space<vmem>> -> memref<2x128xi32, #tpu.memory_space<vmem>>
      %swap3A_138 = arith.constant 0 : i32
      %swap3A_139 = tpu.memref_slice %swap3A_137[%swap3A_133, %swap3A_138] : memref<2x128xi32, #tpu.memory_space<vmem>> -> memref<1x128xi32, #tpu.memory_space<vmem>>
      %swap3A_140 = tpu.memref_squeeze %swap3A_139 : memref<1x128xi32, #tpu.memory_space<vmem>> -> memref<128xi32, #tpu.memory_space<vmem>>
      %swap3A_141 = arith.constant 16 : index
      %swap3A_142 = tpu.vector_load %swap3A_140[%swap3A_141] {strides = array<i32>} : memref<128xi32, #tpu.memory_space<vmem>>, vector<16xi32>,
      %swap3A_143 = vector.shape_cast %swap3A_142 : vector<16xi32> to vector<16xi32>
      %swap3A_144 = vector.shape_cast %add3A_131 : vector<16xi32> to vector<16xi32>
      tpu.vector_store %swap3A_140[%swap3A_141], %swap3A_144 {strides = array<i32>} : memref<128xi32, #tpu.memory_space<vmem>>, vector<16xi32>,
      %get3A_145 = arith.constant 0 : i32
      %get3A_146 = arith.constant 0 : i32
      %get3A_147 = arith.constant 0 : i32
      %get3A_148 = arith.constant 0 : i32
      %get3A_149 = tpu.memref_slice %arg5[%get3A_145, %get3A_147, %get3A_148] : memref<2x2x128xi32, #tpu.memory_space<vmem>> -> memref<1x2x128xi32, #tpu.memory_space<vmem>>
      %get3A_150 = tpu.memref_squeeze %get3A_149 : memref<1x2x128xi32, #tpu.memory_space<vmem>> -> memref<2x128xi32, #tpu.memory_space<vmem>>
      %get3A_151 = arith.constant 0 : i32
      %get3A_152 = tpu.memref_slice %get3A_150[%get3A_146, %get3A_151] : memref<2x128xi32, #tpu.memory_space<vmem>> -> memref<1x128xi32, #tpu.memory_space<vmem>>
      %get3A_153 = tpu.memref_squeeze %get3A_152 : memref<1x128xi32, #tpu.memory_space<vmem>> -> memref<128xi32, #tpu.memory_space<vmem>>
      %get3A_154 = arith.constant 32 : index
      %get3A_155 = tpu.vector_load %get3A_153[%get3A_154] {strides = array<i32>} : memref<128xi32, #tpu.memory_space<vmem>>, vector<16xi32>,
      %get3A_156 = vector.shape_cast %get3A_155 : vector<16xi32> to vector<16xi32>
      %add3A_157 = vector.broadcast %mul3A_92 : i32 to vector<16xi32>
      %add3A_158 = arith.addi %get3A_156, %add3A_157 : vector<16xi32>
      %swap3A_159 = arith.constant 0 : i32
      %swap3A_160 = arith.constant 0 : i32
      %swap3A_161 = arith.constant 0 : i32
      %swap3A_162 = arith.constant 0 : i32
      %swap3A_163 = tpu.memref_slice %arg5[%swap3A_159, %swap3A_161, %swap3A_162] : memref<2x2x128xi32, #tpu.memory_space<vmem>> -> memref<1x2x128xi32, #tpu.memory_space<vmem>>
      %swap3A_164 = tpu.memref_squeeze %swap3A_163 : memref<1x2x128xi32, #tpu.memory_space<vmem>> -> memref<2x128xi32, #tpu.memory_space<vmem>>
      %swap3A_165 = arith.constant 0 : i32
      %swap3A_166 = tpu.memref_slice %swap3A_164[%swap3A_160, %swap3A_165] : memref<2x128xi32, #tpu.memory_space<vmem>> -> memref<1x128xi32, #tpu.memory_space<vmem>>
      %swap3A_167 = tpu.memref_squeeze %swap3A_166 : memref<1x128xi32, #tpu.memory_space<vmem>> -> memref<128xi32, #tpu.memory_space<vmem>>
      %swap3A_168 = arith.constant 32 : index
      %swap3A_169 = tpu.vector_load %swap3A_167[%swap3A_168] {strides = array<i32>} : memref<128xi32, #tpu.memory_space<vmem>>, vector<16xi32>,
      %swap3A_170 = vector.shape_cast %swap3A_169 : vector<16xi32> to vector<16xi32>
      %swap3A_171 = vector.shape_cast %add3A_158 : vector<16xi32> to vector<16xi32>
      tpu.vector_store %swap3A_167[%swap3A_168], %swap3A_171 {strides = array<i32>} : memref<128xi32, #tpu.memory_space<vmem>>, vector<16xi32>,
      %get3A_172 = arith.constant 0 : i32
      %get3A_173 = arith.constant 0 : i32
      %get3A_174 = arith.constant 0 : i32
      %get3A_175 = arith.constant 0 : i32
      %get3A_176 = tpu.memref_slice %arg5[%get3A_172, %get3A_174, %get3A_175] : memref<2x2x128xi32, #tpu.memory_space<vmem>> -> memref<1x2x128xi32, #tpu.memory_space<vmem>>
      %get3A_177 = tpu.memref_squeeze %get3A_176 : memref<1x2x128xi32, #tpu.memory_space<vmem>> -> memref<2x128xi32, #tpu.memory_space<vmem>>
      %get3A_178 = arith.constant 0 : i32
      %get3A_179 = tpu.memref_slice %get3A_177[%get3A_173, %get3A_178] : memref<2x128xi32, #tpu.memory_space<vmem>> -> memref<1x128xi32, #tpu.memory_space<vmem>>
      %get3A_180 = tpu.memref_squeeze %get3A_179 : memref<1x128xi32, #tpu.memory_space<vmem>> -> memref<128xi32, #tpu.memory_space<vmem>>
      %get3A_181 = arith.constant 48 : index
      %get3A_182 = tpu.vector_load %get3A_180[%get3A_181] {strides = array<i32>} : memref<128xi32, #tpu.memory_space<vmem>>, vector<16xi32>,
      %get3A_183 = vector.shape_cast %get3A_182 : vector<16xi32> to vector<16xi32>
      %add3A_184 = vector.broadcast %mul3A_92 : i32 to vector<16xi32>
      %add3A_185 = arith.addi %get3A_183, %add3A_184 : vector<16xi32>
      %swap3A_186 = arith.constant 0 : i32
      %swap3A_187 = arith.constant 0 : i32
      %swap3A_188 = arith.constant 0 : i32
      %swap3A_189 = arith.constant 0 : i32
      %swap3A_190 = tpu.memref_slice %arg5[%swap3A_186, %swap3A_188, %swap3A_189] : memref<2x2x128xi32, #tpu.memory_space<vmem>> -> memref<1x2x128xi32, #tpu.memory_space<vmem>>
      %swap3A_191 = tpu.memref_squeeze %swap3A_190 : memref<1x2x128xi32, #tpu.memory_space<vmem>> -> memref<2x128xi32, #tpu.memory_space<vmem>>
      %swap3A_192 = arith.constant 0 : i32
      %swap3A_193 = tpu.memref_slice %swap3A_191[%swap3A_187, %swap3A_192] : memref<2x128xi32, #tpu.memory_space<vmem>> -> memref<1x128xi32, #tpu.memory_space<vmem>>
      %swap3A_194 = tpu.memref_squeeze %swap3A_193 : memref<1x128xi32, #tpu.memory_space<vmem>> -> memref<128xi32, #tpu.memory_space<vmem>>
      %swap3A_195 = arith.constant 48 : index
      %swap3A_196 = tpu.vector_load %swap3A_194[%swap3A_195] {strides = array<i32>} : memref<128xi32, #tpu.memory_space<vmem>>, vector<16xi32>,
      %swap3A_197 = vector.shape_cast %swap3A_196 : vector<16xi32> to vector<16xi32>
      %swap3A_198 = vector.shape_cast %add3A_185 : vector<16xi32> to vector<16xi32>
      tpu.vector_store %swap3A_194[%swap3A_195], %swap3A_198 {strides = array<i32>} : memref<128xi32, #tpu.memory_space<vmem>>, vector<16xi32>,
      %get3A_199 = arith.constant 0 : i32
      %get3A_200 = arith.constant 0 : i32
      %get3A_201 = arith.constant 0 : i32
      %get3A_202 = arith.constant 0 : i32
      %get3A_203 = tpu.memref_slice %arg5[%get3A_199, %get3A_201, %get3A_202] : memref<2x2x128xi32, #tpu.memory_space<vmem>> -> memref<1x2x128xi32, #tpu.memory_space<vmem>>
      %get3A_204 = tpu.memref_squeeze %get3A_203 : memref<1x2x128xi32, #tpu.memory_space<vmem>> -> memref<2x128xi32, #tpu.memory_space<vmem>>
      %get3A_205 = arith.constant 0 : i32
      %get3A_206 = tpu.memref_slice %get3A_204[%get3A_200, %get3A_205] : memref<2x128xi32, #tpu.memory_space<vmem>> -> memref<1x128xi32, #tpu.memory_space<vmem>>
      %get3A_207 = tpu.memref_squeeze %get3A_206 : memref<1x128xi32, #tpu.memory_space<vmem>> -> memref<128xi32, #tpu.memory_space<vmem>>
      %get3A_208 = arith.constant 64 : index
      %get3A_209 = tpu.vector_load %get3A_207[%get3A_208] {strides = array<i32>} : memref<128xi32, #tpu.memory_space<vmem>>, vector<16xi32>,
      %get3A_210 = vector.shape_cast %get3A_209 : vector<16xi32> to vector<16xi32>
      %add3A_211 = vector.broadcast %mul3A_92 : i32 to vector<16xi32>
      %add3A_212 = arith.addi %get3A_210, %add3A_211 : vector<16xi32>
      %swap3A_213 = arith.constant 0 : i32
      %swap3A_214 = arith.constant 0 : i32
      %swap3A_215 = arith.constant 0 : i32
      %swap3A_216 = arith.constant 0 : i32
      %swap3A_217 = tpu.memref_slice %arg5[%swap3A_213, %swap3A_215, %swap3A_216] : memref<2x2x128xi32, #tpu.memory_space<vmem>> -> memref<1x2x128xi32, #tpu.memory_space<vmem>>
      %swap3A_218 = tpu.memref_squeeze %swap3A_217 : memref<1x2x128xi32, #tpu.memory_space<vmem>> -> memref<2x128xi32, #tpu.memory_space<vmem>>
      %swap3A_219 = arith.constant 0 : i32
      %swap3A_220 = tpu.memref_slice %swap3A_218[%swap3A_214, %swap3A_219] : memref<2x128xi32, #tpu.memory_space<vmem>> -> memref<1x128xi32, #tpu.memory_space<vmem>>
      %swap3A_221 = tpu.memref_squeeze %swap3A_220 : memref<1x128xi32, #tpu.memory_space<vmem>> -> memref<128xi32, #tpu.memory_space<vmem>>
      %swap3A_222 = arith.constant 64 : index
      %swap3A_223 = tpu.vector_load %swap3A_221[%swap3A_222] {strides = array<i32>} : memref<128xi32, #tpu.memory_space<vmem>>, vector<16xi32>,
      %swap3A_224 = vector.shape_cast %swap3A_223 : vector<16xi32> to vector<16xi32>
      %swap3A_225 = vector.shape_cast %add3A_212 : vector<16xi32> to vector<16xi32>
      tpu.vector_store %swap3A_221[%swap3A_222], %swap3A_225 {strides = array<i32>} : memref<128xi32, #tpu.memory_space<vmem>>, vector<16xi32>,
      %get3A_226 = arith.constant 0 : i32
      %get3A_227 = arith.constant 0 : i32
      %get3A_228 = arith.constant 0 : i32
      %get3A_229 = arith.constant 0 : i32
      %get3A_230 = tpu.memref_slice %arg5[%get3A_226, %get3A_228, %get3A_229] : memref<2x2x128xi32, #tpu.memory_space<vmem>> -> memref<1x2x128xi32, #tpu.memory_space<vmem>>
      %get3A_231 = tpu.memref_squeeze %get3A_230 : memref<1x2x128xi32, #tpu.memory_space<vmem>> -> memref<2x128xi32, #tpu.memory_space<vmem>>
      %get3A_232 = arith.constant 0 : i32
      %get3A_233 = tpu.memref_slice %get3A_231[%get3A_227, %get3A_232] : memref<2x128xi32, #tpu.memory_space<vmem>> -> memref<1x128xi32, #tpu.memory_space<vmem>>
      %get3A_234 = tpu.memref_squeeze %get3A_233 : memref<1x128xi32, #tpu.memory_space<vmem>> -> memref<128xi32, #tpu.memory_space<vmem>>
      %get3A_235 = arith.constant 80 : index
      %get3A_236 = tpu.vector_load %get3A_234[%get3A_235] {strides = array<i32>} : memref<128xi32, #tpu.memory_space<vmem>>, vector<16xi32>,
      %get3A_237 = vector.shape_cast %get3A_236 : vector<16xi32> to vector<16xi32>
      %add3A_238 = vector.broadcast %mul3A_92 : i32 to vector<16xi32>
      %add3A_239 = arith.addi %get3A_237, %add3A_238 : vector<16xi32>
      %swap3A_240 = arith.constant 0 : i32
      %swap3A_241 = arith.constant 0 : i32
      %swap3A_242 = arith.constant 0 : i32
      %swap3A_243 = arith.constant 0 : i32
      %swap3A_244 = tpu.memref_slice %arg5[%swap3A_240, %swap3A_242, %swap3A_243] : memref<2x2x128xi32, #tpu.memory_space<vmem>> -> memref<1x2x128xi32, #tpu.memory_space<vmem>>
      %swap3A_245 = tpu.memref_squeeze %swap3A_244 : memref<1x2x128xi32, #tpu.memory_space<vmem>> -> memref<2x128xi32, #tpu.memory_space<vmem>>
      %swap3A_246 = arith.constant 0 : i32
      %swap3A_247 = tpu.memref_slice %swap3A_245[%swap3A_241, %swap3A_246] : memref<2x128xi32, #tpu.memory_space<vmem>> -> memref<1x128xi32, #tpu.memory_space<vmem>>
      %swap3A_248 = tpu.memref_squeeze %swap3A_247 : memref<1x128xi32, #tpu.memory_space<vmem>> -> memref<128xi32, #tpu.memory_space<vmem>>
      %swap3A_249 = arith.constant 80 : index
      %swap3A_250 = tpu.vector_load %swap3A_248[%swap3A_249] {strides = array<i32>} : memref<128xi32, #tpu.memory_space<vmem>>, vector<16xi32>,
      %swap3A_251 = vector.shape_cast %swap3A_250 : vector<16xi32> to vector<16xi32>
      %swap3A_252 = vector.shape_cast %add3A_239 : vector<16xi32> to vector<16xi32>
      tpu.vector_store %swap3A_248[%swap3A_249], %swap3A_252 {strides = array<i32>} : memref<128xi32, #tpu.memory_space<vmem>>, vector<16xi32>,
      %get3A_253 = arith.constant 0 : i32
      %get3A_254 = arith.constant 0 : i32
      %get3A_255 = arith.constant 0 : i32
      %get3A_256 = arith.constant 0 : i32
      %get3A_257 = tpu.memref_slice %arg5[%get3A_253, %get3A_255, %get3A_256] : memref<2x2x128xi32, #tpu.memory_space<vmem>> -> memref<1x2x128xi32, #tpu.memory_space<vmem>>
      %get3A_258 = tpu.memref_squeeze %get3A_257 : memref<1x2x128xi32, #tpu.memory_space<vmem>> -> memref<2x128xi32, #tpu.memory_space<vmem>>
      %get3A_259 = arith.constant 0 : i32
      %get3A_260 = tpu.memref_slice %get3A_258[%get3A_254, %get3A_259] : memref<2x128xi32, #tpu.memory_space<vmem>> -> memref<1x128xi32, #tpu.memory_space<vmem>>
      %get3A_261 = tpu.memref_squeeze %get3A_260 : memref<1x128xi32, #tpu.memory_space<vmem>> -> memref<128xi32, #tpu.memory_space<vmem>>
      %get3A_262 = arith.constant 96 : index
      %get3A_263 = tpu.vector_load %get3A_261[%get3A_262] {strides = array<i32>} : memref<128xi32, #tpu.memory_space<vmem>>, vector<16xi32>,
      %get3A_264 = vector.shape_cast %get3A_263 : vector<16xi32> to vector<16xi32>
      %add3A_265 = vector.broadcast %mul3A_92 : i32 to vector<16xi32>
      %add3A_266 = arith.addi %get3A_264, %add3A_265 : vector<16xi32>
      %swap3A_267 = arith.constant 0 : i32
      %swap3A_268 = arith.constant 0 : i32
      %swap3A_269 = arith.constant 0 : i32
      %swap3A_270 = arith.constant 0 : i32
      %swap3A_271 = tpu.memref_slice %arg5[%swap3A_267, %swap3A_269, %swap3A_270] : memref<2x2x128xi32, #tpu.memory_space<vmem>> -> memref<1x2x128xi32, #tpu.memory_space<vmem>>
      %swap3A_272 = tpu.memref_squeeze %swap3A_271 : memref<1x2x128xi32, #tpu.memory_space<vmem>> -> memref<2x128xi32, #tpu.memory_space<vmem>>
      %swap3A_273 = arith.constant 0 : i32
      %swap3A_274 = tpu.memref_slice %swap3A_272[%swap3A_268, %swap3A_273] : memref<2x128xi32, #tpu.memory_space<vmem>> -> memref<1x128xi32, #tpu.memory_space<vmem>>
      %swap3A_275 = tpu.memref_squeeze %swap3A_274 : memref<1x128xi32, #tpu.memory_space<vmem>> -> memref<128xi32, #tpu.memory_space<vmem>>
      %swap3A_276 = arith.constant 96 : index
      %swap3A_277 = tpu.vector_load %swap3A_275[%swap3A_276] {strides = array<i32>} : memref<128xi32, #tpu.memory_space<vmem>>, vector<16xi32>,
      %swap3A_278 = vector.shape_cast %swap3A_277 : vector<16xi32> to vector<16xi32>
      %swap3A_279 = vector.shape_cast %add3A_266 : vector<16xi32> to vector<16xi32>
      tpu.vector_store %swap3A_275[%swap3A_276], %swap3A_279 {strides = array<i32>} : memref<128xi32, #tpu.memory_space<vmem>>, vector<16xi32>,
      %get3A_280 = arith.constant 0 : i32
      %get3A_281 = arith.constant 0 : i32
      %get3A_282 = arith.constant 0 : i32
      %get3A_283 = arith.constant 0 : i32
      %get3A_284 = tpu.memref_slice %arg5[%get3A_280, %get3A_282, %get3A_283] : memref<2x2x128xi32, #tpu.memory_space<vmem>> -> memref<1x2x128xi32, #tpu.memory_space<vmem>>
      %get3A_285 = tpu.memref_squeeze %get3A_284 : memref<1x2x128xi32, #tpu.memory_space<vmem>> -> memref<2x128xi32, #tpu.memory_space<vmem>>
      %get3A_286 = arith.constant 0 : i32
      %get3A_287 = tpu.memref_slice %get3A_285[%get3A_281, %get3A_286] : memref<2x128xi32, #tpu.memory_space<vmem>> -> memref<1x128xi32, #tpu.memory_space<vmem>>
      %get3A_288 = tpu.memref_squeeze %get3A_287 : memref<1x128xi32, #tpu.memory_space<vmem>> -> memref<128xi32, #tpu.memory_space<vmem>>
      %get3A_289 = arith.constant 112 : index
      %get3A_290 = tpu.vector_load %get3A_288[%get3A_289] {strides = array<i32>} : memref<128xi32, #tpu.memory_space<vmem>>, vector<16xi32>,
      %get3A_291 = vector.shape_cast %get3A_290 : vector<16xi32> to vector<16xi32>
      %add3A_292 = vector.broadcast %mul3A_92 : i32 to vector<16xi32>
      %add3A_293 = arith.addi %get3A_291, %add3A_292 : vector<16xi32>
      %swap3A_294 = arith.constant 0 : i32
      %swap3A_295 = arith.constant 0 : i32
      %swap3A_296 = arith.constant 0 : i32
      %swap3A_297 = arith.constant 0 : i32
      %swap3A_298 = tpu.memref_slice %arg5[%swap3A_294, %swap3A_296, %swap3A_297] : memref<2x2x128xi32, #tpu.memory_space<vmem>> -> memref<1x2x128xi32, #tpu.memory_space<vmem>>
      %swap3A_299 = tpu.memref_squeeze %swap3A_298 : memref<1x2x128xi32, #tpu.memory_space<vmem>> -> memref<2x128xi32, #tpu.memory_space<vmem>>
      %swap3A_300 = arith.constant 0 : i32
      %swap3A_301 = tpu.memref_slice %swap3A_299[%swap3A_295, %swap3A_300] : memref<2x128xi32, #tpu.memory_space<vmem>> -> memref<1x128xi32, #tpu.memory_space<vmem>>
      %swap3A_302 = tpu.memref_squeeze %swap3A_301 : memref<1x128xi32, #tpu.memory_space<vmem>> -> memref<128xi32, #tpu.memory_space<vmem>>
      %swap3A_303 = arith.constant 112 : index
      %swap3A_304 = tpu.vector_load %swap3A_302[%swap3A_303] {strides = array<i32>} : memref<128xi32, #tpu.memory_space<vmem>>, vector<16xi32>,
      %swap3A_305 = vector.shape_cast %swap3A_304 : vector<16xi32> to vector<16xi32>
      %swap3A_306 = vector.shape_cast %add3A_293 : vector<16xi32> to vector<16xi32>
      tpu.vector_store %swap3A_302[%swap3A_303], %swap3A_306 {strides = array<i32>} : memref<128xi32, #tpu.memory_space<vmem>>, vector<16xi32>,
      %get3A_307 = arith.constant 0 : i32
      %get3A_308 = arith.constant 1 : i32
      %get3A_309 = arith.constant 0 : i32
      %get3A_310 = arith.constant 0 : i32
      %get3A_311 = tpu.memref_slice %arg5[%get3A_307, %get3A_309, %get3A_310] : memref<2x2x128xi32, #tpu.memory_space<vmem>> -> memref<1x2x128xi32, #tpu.memory_space<vmem>>
      %get3A_312 = tpu.memref_squeeze %get3A_311 : memref<1x2x128xi32, #tpu.memory_space<vmem>> -> memref<2x128xi32, #tpu.memory_space<vmem>>
      %get3A_313 = arith.constant 0 : i32
      %get3A_314 = tpu.memref_slice %get3A_312[%get3A_308, %get3A_313] : memref<2x128xi32, #tpu.memory_space<vmem>> -> memref<1x128xi32, #tpu.memory_space<vmem>>
      %get3A_315 = tpu.memref_squeeze %get3A_314 : memref<1x128xi32, #tpu.memory_space<vmem>> -> memref<128xi32, #tpu.memory_space<vmem>>
      %get3A_316 = arith.constant 0 : index
      %get3A_317 = tpu.vector_load %get3A_315[%get3A_316] {strides = array<i32>} : memref<128xi32, #tpu.memory_space<vmem>>, vector<16xi32>,
      %get3A_318 = vector.shape_cast %get3A_317 : vector<16xi32> to vector<16xi32>
      %add3A_319 = vector.broadcast %mul3A_92 : i32 to vector<16xi32>
      %add3A_320 = arith.addi %get3A_318, %add3A_319 : vector<16xi32>
      %swap3A_321 = arith.constant 0 : i32
      %swap3A_322 = arith.constant 1 : i32
      %swap3A_323 = arith.constant 0 : i32
      %swap3A_324 = arith.constant 0 : i32
      %swap3A_325 = tpu.memref_slice %arg5[%swap3A_321, %swap3A_323, %swap3A_324] : memref<2x2x128xi32, #tpu.memory_space<vmem>> -> memref<1x2x128xi32, #tpu.memory_space<vmem>>
      %swap3A_326 = tpu.memref_squeeze %swap3A_325 : memref<1x2x128xi32, #tpu.memory_space<vmem>> -> memref<2x128xi32, #tpu.memory_space<vmem>>
      %swap3A_327 = arith.constant 0 : i32
      %swap3A_328 = tpu.memref_slice %swap3A_326[%swap3A_322, %swap3A_327] : memref<2x128xi32, #tpu.memory_space<vmem>> -> memref<1x128xi32, #tpu.memory_space<vmem>>
      %swap3A_329 = tpu.memref_squeeze %swap3A_328 : memref<1x128xi32, #tpu.memory_space<vmem>> -> memref<128xi32, #tpu.memory_space<vmem>>
      %swap3A_330 = arith.constant 0 : index
      %swap3A_331 = tpu.vector_load %swap3A_329[%swap3A_330] {strides = array<i32>} : memref<128xi32, #tpu.memory_space<vmem>>, vector<16xi32>,
      %swap3A_332 = vector.shape_cast %swap3A_331 : vector<16xi32> to vector<16xi32>
      %swap3A_333 = vector.shape_cast %add3A_320 : vector<16xi32> to vector<16xi32>
      tpu.vector_store %swap3A_329[%swap3A_330], %swap3A_333 {strides = array<i32>} : memref<128xi32, #tpu.memory_space<vmem>>, vector<16xi32>,
      %get3A_334 = arith.constant 0 : i32
      %get3A_335 = arith.constant 1 : i32
      %get3A_336 = arith.constant 0 : i32
      %get3A_337 = arith.constant 0 : i32
      %get3A_338 = tpu.memref_slice %arg5[%get3A_334, %get3A_336, %get3A_337] : memref<2x2x128xi32, #tpu.memory_space<vmem>> -> memref<1x2x128xi32, #tpu.memory_space<vmem>>
      %get3A_339 = tpu.memref_squeeze %get3A_338 : memref<1x2x128xi32, #tpu.memory_space<vmem>> -> memref<2x128xi32, #tpu.memory_space<vmem>>
      %get3A_340 = arith.constant 0 : i32
      %get3A_341 = tpu.memref_slice %get3A_339[%get3A_335, %get3A_340] : memref<2x128xi32, #tpu.memory_space<vmem>> -> memref<1x128xi32, #tpu.memory_space<vmem>>
      %get3A_342 = tpu.memref_squeeze %get3A_341 : memref<1x128xi32, #tpu.memory_space<vmem>> -> memref<128xi32, #tpu.memory_space<vmem>>
      %get3A_343 = arith.constant 16 : index
      %get3A_344 = tpu.vector_load %get3A_342[%get3A_343] {strides = array<i32>} : memref<128xi32, #tpu.memory_space<vmem>>, vector<16xi32>,
      %get3A_345 = vector.shape_cast %get3A_344 : vector<16xi32> to vector<16xi32>
      %add3A_346 = vector.broadcast %mul3A_92 : i32 to vector<16xi32>
      %add3A_347 = arith.addi %get3A_345, %add3A_346 : vector<16xi32>
      %swap3A_348 = arith.constant 0 : i32
      %swap3A_349 = arith.constant 1 : i32
      %swap3A_350 = arith.constant 0 : i32
      %swap3A_351 = arith.constant 0 : i32
      %swap3A_352 = tpu.memref_slice %arg5[%swap3A_348, %swap3A_350, %swap3A_351] : memref<2x2x128xi32, #tpu.memory_space<vmem>> -> memref<1x2x128xi32, #tpu.memory_space<vmem>>
      %swap3A_353 = tpu.memref_squeeze %swap3A_352 : memref<1x2x128xi32, #tpu.memory_space<vmem>> -> memref<2x128xi32, #tpu.memory_space<vmem>>
      %swap3A_354 = arith.constant 0 : i32
      %swap3A_355 = tpu.memref_slice %swap3A_353[%swap3A_349, %swap3A_354] : memref<2x128xi32, #tpu.memory_space<vmem>> -> memref<1x128xi32, #tpu.memory_space<vmem>>
      %swap3A_356 = tpu.memref_squeeze %swap3A_355 : memref<1x128xi32, #tpu.memory_space<vmem>> -> memref<128xi32, #tpu.memory_space<vmem>>
      %swap3A_357 = arith.constant 16 : index
      %swap3A_358 = tpu.vector_load %swap3A_356[%swap3A_357] {strides = array<i32>} : memref<128xi32, #tpu.memory_space<vmem>>, vector<16xi32>,
      %swap3A_359 = vector.shape_cast %swap3A_358 : vector<16xi32> to vector<16xi32>
      %swap3A_360 = vector.shape_cast %add3A_347 : vector<16xi32> to vector<16xi32>
      tpu.vector_store %swap3A_356[%swap3A_357], %swap3A_360 {strides = array<i32>} : memref<128xi32, #tpu.memory_space<vmem>>, vector<16xi32>,
      %get3A_361 = arith.constant 0 : i32
      %get3A_362 = arith.constant 1 : i32
      %get3A_363 = arith.constant 0 : i32
      %get3A_364 = arith.constant 0 : i32
      %get3A_365 = tpu.memref_slice %arg5[%get3A_361, %get3A_363, %get3A_364] : memref<2x2x128xi32, #tpu.memory_space<vmem>> -> memref<1x2x128xi32, #tpu.memory_space<vmem>>
      %get3A_366 = tpu.memref_squeeze %get3A_365 : memref<1x2x128xi32, #tpu.memory_space<vmem>> -> memref<2x128xi32, #tpu.memory_space<vmem>>
      %get3A_367 = arith.constant 0 : i32
      %get3A_368 = tpu.memref_slice %get3A_366[%get3A_362, %get3A_367] : memref<2x128xi32, #tpu.memory_space<vmem>> -> memref<1x128xi32, #tpu.memory_space<vmem>>
      %get3A_369 = tpu.memref_squeeze %get3A_368 : memref<1x128xi32, #tpu.memory_space<vmem>> -> memref<128xi32, #tpu.memory_space<vmem>>
      %get3A_370 = arith.constant 32 : index
      %get3A_371 = tpu.vector_load %get3A_369[%get3A_370] {strides = array<i32>} : memref<128xi32, #tpu.memory_space<vmem>>, vector<16xi32>,
      %get3A_372 = vector.shape_cast %get3A_371 : vector<16xi32> to vector<16xi32>
      %add3A_373 = vector.broadcast %mul3A_92 : i32 to vector<16xi32>
      %add3A_374 = arith.addi %get3A_372, %add3A_373 : vector<16xi32>
      %swap3A_375 = arith.constant 0 : i32
      %swap3A_376 = arith.constant 1 : i32
      %swap3A_377 = arith.constant 0 : i32
      %swap3A_378 = arith.constant 0 : i32
      %swap3A_379 = tpu.memref_slice %arg5[%swap3A_375, %swap3A_377, %swap3A_378] : memref<2x2x128xi32, #tpu.memory_space<vmem>> -> memref<1x2x128xi32, #tpu.memory_space<vmem>>
      %swap3A_380 = tpu.memref_squeeze %swap3A_379 : memref<1x2x128xi32, #tpu.memory_space<vmem>> -> memref<2x128xi32, #tpu.memory_space<vmem>>
      %swap3A_381 = arith.constant 0 : i32
      %swap3A_382 = tpu.memref_slice %swap3A_380[%swap3A_376, %swap3A_381] : memref<2x128xi32, #tpu.memory_space<vmem>> -> memref<1x128xi32, #tpu.memory_space<vmem>>
      %swap3A_383 = tpu.memref_squeeze %swap3A_382 : memref<1x128xi32, #tpu.memory_space<vmem>> -> memref<128xi32, #tpu.memory_space<vmem>>
      %swap3A_384 = arith.constant 32 : index
      %swap3A_385 = tpu.vector_load %swap3A_383[%swap3A_384] {strides = array<i32>} : memref<128xi32, #tpu.memory_space<vmem>>, vector<16xi32>,
      %swap3A_386 = vector.shape_cast %swap3A_385 : vector<16xi32> to vector<16xi32>
      %swap3A_387 = vector.shape_cast %add3A_374 : vector<16xi32> to vector<16xi32>
      tpu.vector_store %swap3A_383[%swap3A_384], %swap3A_387 {strides = array<i32>} : memref<128xi32, #tpu.memory_space<vmem>>, vector<16xi32>,
      %get3A_388 = arith.constant 0 : i32
      %get3A_389 = arith.constant 1 : i32
      %get3A_390 = arith.constant 0 : i32
      %get3A_391 = arith.constant 0 : i32
      %get3A_392 = tpu.memref_slice %arg5[%get3A_388, %get3A_390, %get3A_391] : memref<2x2x128xi32, #tpu.memory_space<vmem>> -> memref<1x2x128xi32, #tpu.memory_space<vmem>>
      %get3A_393 = tpu.memref_squeeze %get3A_392 : memref<1x2x128xi32, #tpu.memory_space<vmem>> -> memref<2x128xi32, #tpu.memory_space<vmem>>
      %get3A_394 = arith.constant 0 : i32
      %get3A_395 = tpu.memref_slice %get3A_393[%get3A_389, %get3A_394] : memref<2x128xi32, #tpu.memory_space<vmem>> -> memref<1x128xi32, #tpu.memory_space<vmem>>
      %get3A_396 = tpu.memref_squeeze %get3A_395 : memref<1x128xi32, #tpu.memory_space<vmem>> -> memref<128xi32, #tpu.memory_space<vmem>>
      %get3A_397 = arith.constant 48 : index
      %get3A_398 = tpu.vector_load %get3A_396[%get3A_397] {strides = array<i32>} : memref<128xi32, #tpu.memory_space<vmem>>, vector<16xi32>,
      %get3A_399 = vector.shape_cast %get3A_398 : vector<16xi32> to vector<16xi32>
      %add3A_400 = vector.broadcast %mul3A_92 : i32 to vector<16xi32>
      %add3A_401 = arith.addi %get3A_399, %add3A_400 : vector<16xi32>
      %swap3A_402 = arith.constant 0 : i32
      %swap3A_403 = arith.constant 1 : i32
      %swap3A_404 = arith.constant 0 : i32
      %swap3A_405 = arith.constant 0 : i32
      %swap3A_406 = tpu.memref_slice %arg5[%swap3A_402, %swap3A_404, %swap3A_405] : memref<2x2x128xi32, #tpu.memory_space<vmem>> -> memref<1x2x128xi32, #tpu.memory_space<vmem>>
      %swap3A_407 = tpu.memref_squeeze %swap3A_406 : memref<1x2x128xi32, #tpu.memory_space<vmem>> -> memref<2x128xi32, #tpu.memory_space<vmem>>
      %swap3A_408 = arith.constant 0 : i32
      %swap3A_409 = tpu.memref_slice %swap3A_407[%swap3A_403, %swap3A_408] : memref<2x128xi32, #tpu.memory_space<vmem>> -> memref<1x128xi32, #tpu.memory_space<vmem>>
      %swap3A_410 = tpu.memref_squeeze %swap3A_409 : memref<1x128xi32, #tpu.memory_space<vmem>> -> memref<128xi32, #tpu.memory_space<vmem>>
      %swap3A_411 = arith.constant 48 : index
      %swap3A_412 = tpu.vector_load %swap3A_410[%swap3A_411] {strides = array<i32>} : memref<128xi32, #tpu.memory_space<vmem>>, vector<16xi32>,
      %swap3A_413 = vector.shape_cast %swap3A_412 : vector<16xi32> to vector<16xi32>
      %swap3A_414 = vector.shape_cast %add3A_401 : vector<16xi32> to vector<16xi32>
      tpu.vector_store %swap3A_410[%swap3A_411], %swap3A_414 {strides = array<i32>} : memref<128xi32, #tpu.memory_space<vmem>>, vector<16xi32>,
      %get3A_415 = arith.constant 0 : i32
      %get3A_416 = arith.constant 1 : i32
      %get3A_417 = arith.constant 0 : i32
      %get3A_418 = arith.constant 0 : i32
      %get3A_419 = tpu.memref_slice %arg5[%get3A_415, %get3A_417, %get3A_418] : memref<2x2x128xi32, #tpu.memory_space<vmem>> -> memref<1x2x128xi32, #tpu.memory_space<vmem>>
      %get3A_420 = tpu.memref_squeeze %get3A_419 : memref<1x2x128xi32, #tpu.memory_space<vmem>> -> memref<2x128xi32, #tpu.memory_space<vmem>>
      %get3A_421 = arith.constant 0 : i32
      %get3A_422 = tpu.memref_slice %get3A_420[%get3A_416, %get3A_421] : memref<2x128xi32, #tpu.memory_space<vmem>> -> memref<1x128xi32, #tpu.memory_space<vmem>>
      %get3A_423 = tpu.memref_squeeze %get3A_422 : memref<1x128xi32, #tpu.memory_space<vmem>> -> memref<128xi32, #tpu.memory_space<vmem>>
      %get3A_424 = arith.constant 64 : index
      %get3A_425 = tpu.vector_load %get3A_423[%get3A_424] {strides = array<i32>} : memref<128xi32, #tpu.memory_space<vmem>>, vector<16xi32>,
      %get3A_426 = vector.shape_cast %get3A_425 : vector<16xi32> to vector<16xi32>
      %add3A_427 = vector.broadcast %mul3A_92 : i32 to vector<16xi32>
      %add3A_428 = arith.addi %get3A_426, %add3A_427 : vector<16xi32>
      %swap3A_429 = arith.constant 0 : i32
      %swap3A_430 = arith.constant 1 : i32
      %swap3A_431 = arith.constant 0 : i32
      %swap3A_432 = arith.constant 0 : i32
      %swap3A_433 = tpu.memref_slice %arg5[%swap3A_429, %swap3A_431, %swap3A_432] : memref<2x2x128xi32, #tpu.memory_space<vmem>> -> memref<1x2x128xi32, #tpu.memory_space<vmem>>
      %swap3A_434 = tpu.memref_squeeze %swap3A_433 : memref<1x2x128xi32, #tpu.memory_space<vmem>> -> memref<2x128xi32, #tpu.memory_space<vmem>>
      %swap3A_435 = arith.constant 0 : i32
      %swap3A_436 = tpu.memref_slice %swap3A_434[%swap3A_430, %swap3A_435] : memref<2x128xi32, #tpu.memory_space<vmem>> -> memref<1x128xi32, #tpu.memory_space<vmem>>
      %swap3A_437 = tpu.memref_squeeze %swap3A_436 : memref<1x128xi32, #tpu.memory_space<vmem>> -> memref<128xi32, #tpu.memory_space<vmem>>
      %swap3A_438 = arith.constant 64 : index
      %swap3A_439 = tpu.vector_load %swap3A_437[%swap3A_438] {strides = array<i32>} : memref<128xi32, #tpu.memory_space<vmem>>, vector<16xi32>,
      %swap3A_440 = vector.shape_cast %swap3A_439 : vector<16xi32> to vector<16xi32>
      %swap3A_441 = vector.shape_cast %add3A_428 : vector<16xi32> to vector<16xi32>
      tpu.vector_store %swap3A_437[%swap3A_438], %swap3A_441 {strides = array<i32>} : memref<128xi32, #tpu.memory_space<vmem>>, vector<16xi32>,
      %get3A_442 = arith.constant 0 : i32
      %get3A_443 = arith.constant 1 : i32
      %get3A_444 = arith.constant 0 : i32
      %get3A_445 = arith.constant 0 : i32
      %get3A_446 = tpu.memref_slice %arg5[%get3A_442, %get3A_444, %get3A_445] : memref<2x2x128xi32, #tpu.memory_space<vmem>> -> memref<1x2x128xi32, #tpu.memory_space<vmem>>
      %get3A_447 = tpu.memref_squeeze %get3A_446 : memref<1x2x128xi32, #tpu.memory_space<vmem>> -> memref<2x128xi32, #tpu.memory_space<vmem>>
      %get3A_448 = arith.constant 0 : i32
      %get3A_449 = tpu.memref_slice %get3A_447[%get3A_443, %get3A_448] : memref<2x128xi32, #tpu.memory_space<vmem>> -> memref<1x128xi32, #tpu.memory_space<vmem>>
      %get3A_450 = tpu.memref_squeeze %get3A_449 : memref<1x128xi32, #tpu.memory_space<vmem>> -> memref<128xi32, #tpu.memory_space<vmem>>
      %get3A_451 = arith.constant 80 : index
      %get3A_452 = tpu.vector_load %get3A_450[%get3A_451] {strides = array<i32>} : memref<128xi32, #tpu.memory_space<vmem>>, vector<16xi32>,
      %get3A_453 = vector.shape_cast %get3A_452 : vector<16xi32> to vector<16xi32>
      %add3A_454 = vector.broadcast %mul3A_92 : i32 to vector<16xi32>
      %add3A_455 = arith.addi %get3A_453, %add3A_454 : vector<16xi32>
      %swap3A_456 = arith.constant 0 : i32
      %swap3A_457 = arith.constant 1 : i32
      %swap3A_458 = arith.constant 0 : i32
      %swap3A_459 = arith.constant 0 : i32
      %swap3A_460 = tpu.memref_slice %arg5[%swap3A_456, %swap3A_458, %swap3A_459] : memref<2x2x128xi32, #tpu.memory_space<vmem>> -> memref<1x2x128xi32, #tpu.memory_space<vmem>>
      %swap3A_461 = tpu.memref_squeeze %swap3A_460 : memref<1x2x128xi32, #tpu.memory_space<vmem>> -> memref<2x128xi32, #tpu.memory_space<vmem>>
      %swap3A_462 = arith.constant 0 : i32
      %swap3A_463 = tpu.memref_slice %swap3A_461[%swap3A_457, %swap3A_462] : memref<2x128xi32, #tpu.memory_space<vmem>> -> memref<1x128xi32, #tpu.memory_space<vmem>>
      %swap3A_464 = tpu.memref_squeeze %swap3A_463 : memref<1x128xi32, #tpu.memory_space<vmem>> -> memref<128xi32, #tpu.memory_space<vmem>>
      %swap3A_465 = arith.constant 80 : index
      %swap3A_466 = tpu.vector_load %swap3A_464[%swap3A_465] {strides = array<i32>} : memref<128xi32, #tpu.memory_space<vmem>>, vector<16xi32>,
      %swap3A_467 = vector.shape_cast %swap3A_466 : vector<16xi32> to vector<16xi32>
      %swap3A_468 = vector.shape_cast %add3A_455 : vector<16xi32> to vector<16xi32>
      tpu.vector_store %swap3A_464[%swap3A_465], %swap3A_468 {strides = array<i32>} : memref<128xi32, #tpu.memory_space<vmem>>, vector<16xi32>,
      %get3A_469 = arith.constant 0 : i32
      %get3A_470 = arith.constant 1 : i32
      %get3A_471 = arith.constant 0 : i32
      %get3A_472 = arith.constant 0 : i32
      %get3A_473 = tpu.memref_slice %arg5[%get3A_469, %get3A_471, %get3A_472] : memref<2x2x128xi32, #tpu.memory_space<vmem>> -> memref<1x2x128xi32, #tpu.memory_space<vmem>>
      %get3A_474 = tpu.memref_squeeze %get3A_473 : memref<1x2x128xi32, #tpu.memory_space<vmem>> -> memref<2x128xi32, #tpu.memory_space<vmem>>
      %get3A_475 = arith.constant 0 : i32
      %get3A_476 = tpu.memref_slice %get3A_474[%get3A_470, %get3A_475] : memref<2x128xi32, #tpu.memory_space<vmem>> -> memref<1x128xi32, #tpu.memory_space<vmem>>
      %get3A_477 = tpu.memref_squeeze %get3A_476 : memref<1x128xi32, #tpu.memory_space<vmem>> -> memref<128xi32, #tpu.memory_space<vmem>>
      %get3A_478 = arith.constant 96 : index
      %get3A_479 = tpu.vector_load %get3A_477[%get3A_478] {strides = array<i32>} : memref<128xi32, #tpu.memory_space<vmem>>, vector<16xi32>,
      %get3A_480 = vector.shape_cast %get3A_479 : vector<16xi32> to vector<16xi32>
      %add3A_481 = vector.broadcast %mul3A_92 : i32 to vector<16xi32>
      %add3A_482 = arith.addi %get3A_480, %add3A_481 : vector<16xi32>
      %swap3A_483 = arith.constant 0 : i32
      %swap3A_484 = arith.constant 1 : i32
      %swap3A_485 = arith.constant 0 : i32
      %swap3A_486 = arith.constant 0 : i32
      %swap3A_487 = tpu.memref_slice %arg5[%swap3A_483, %swap3A_485, %swap3A_486] : memref<2x2x128xi32, #tpu.memory_space<vmem>> -> memref<1x2x128xi32, #tpu.memory_space<vmem>>
      %swap3A_488 = tpu.memref_squeeze %swap3A_487 : memref<1x2x128xi32, #tpu.memory_space<vmem>> -> memref<2x128xi32, #tpu.memory_space<vmem>>
      %swap3A_489 = arith.constant 0 : i32
      %swap3A_490 = tpu.memref_slice %swap3A_488[%swap3A_484, %swap3A_489] : memref<2x128xi32, #tpu.memory_space<vmem>> -> memref<1x128xi32, #tpu.memory_space<vmem>>
      %swap3A_491 = tpu.memref_squeeze %swap3A_490 : memref<1x128xi32, #tpu.memory_space<vmem>> -> memref<128xi32, #tpu.memory_space<vmem>>
      %swap3A_492 = arith.constant 96 : index
      %swap3A_493 = tpu.vector_load %swap3A_491[%swap3A_492] {strides = array<i32>} : memref<128xi32, #tpu.memory_space<vmem>>, vector<16xi32>,
      %swap3A_494 = vector.shape_cast %swap3A_493 : vector<16xi32> to vector<16xi32>
      %swap3A_495 = vector.shape_cast %add3A_482 : vector<16xi32> to vector<16xi32>
      tpu.vector_store %swap3A_491[%swap3A_492], %swap3A_495 {strides = array<i32>} : memref<128xi32, #tpu.memory_space<vmem>>, vector<16xi32>,
      %get3A_496 = arith.constant 0 : i32
      %get3A_497 = arith.constant 1 : i32
      %get3A_498 = arith.constant 0 : i32
      %get3A_499 = arith.constant 0 : i32
      %get3A_500 = tpu.memref_slice %arg5[%get3A_496, %get3A_498, %get3A_499] : memref<2x2x128xi32, #tpu.memory_space<vmem>> -> memref<1x2x128xi32, #tpu.memory_space<vmem>>
      %get3A_501 = tpu.memref_squeeze %get3A_500 : memref<1x2x128xi32, #tpu.memory_space<vmem>> -> memref<2x128xi32, #tpu.memory_space<vmem>>
      %get3A_502 = arith.constant 0 : i32
      %get3A_503 = tpu.memref_slice %get3A_501[%get3A_497, %get3A_502] : memref<2x128xi32, #tpu.memory_space<vmem>> -> memref<1x128xi32, #tpu.memory_space<vmem>>
      %get3A_504 = tpu.memref_squeeze %get3A_503 : memref<1x128xi32, #tpu.memory_space<vmem>> -> memref<128xi32, #tpu.memory_space<vmem>>
      %get3A_505 = arith.constant 112 : index
      %get3A_506 = tpu.vector_load %get3A_504[%get3A_505] {strides = array<i32>} : memref<128xi32, #tpu.memory_space<vmem>>, vector<16xi32>,
      %get3A_507 = vector.shape_cast %get3A_506 : vector<16xi32> to vector<16xi32>
      %add3A_508 = vector.broadcast %mul3A_92 : i32 to vector<16xi32>
      %add3A_509 = arith.addi %get3A_507, %add3A_508 : vector<16xi32>
      %swap3A_510 = arith.constant 0 : i32
      %swap3A_511 = arith.constant 1 : i32
      %swap3A_512 = arith.constant 0 : i32
      %swap3A_513 = arith.constant 0 : i32
      %swap3A_514 = tpu.memref_slice %arg5[%swap3A_510, %swap3A_512, %swap3A_513] : memref<2x2x128xi32, #tpu.memory_space<vmem>> -> memref<1x2x128xi32, #tpu.memory_space<vmem>>
      %swap3A_515 = tpu.memref_squeeze %swap3A_514 : memref<1x2x128xi32, #tpu.memory_space<vmem>> -> memref<2x128xi32, #tpu.memory_space<vmem>>
      %swap3A_516 = arith.constant 0 : i32
      %swap3A_517 = tpu.memref_slice %swap3A_515[%swap3A_511, %swap3A_516] : memref<2x128xi32, #tpu.memory_space<vmem>> -> memref<1x128xi32, #tpu.memory_space<vmem>>
      %swap3A_518 = tpu.memref_squeeze %swap3A_517 : memref<1x128xi32, #tpu.memory_space<vmem>> -> memref<128xi32, #tpu.memory_space<vmem>>
      %swap3A_519 = arith.constant 112 : index
      %swap3A_520 = tpu.vector_load %swap3A_518[%swap3A_519] {strides = array<i32>} : memref<128xi32, #tpu.memory_space<vmem>>, vector<16xi32>,
      %swap3A_521 = vector.shape_cast %swap3A_520 : vector<16xi32> to vector<16xi32>
      %swap3A_522 = vector.shape_cast %add3A_509 : vector<16xi32> to vector<16xi32>
      tpu.vector_store %swap3A_518[%swap3A_519], %swap3A_522 {strides = array<i32>} : memref<128xi32, #tpu.memory_space<vmem>>, vector<16xi32>,
      %ge3A = arith.constant 1 : i32
      %ge3A_523 = arith.cmpi sge, %scan3A_70, %ge3A : i32
      %convert_element_type3A = arith.extui %ge3A_523 : i1 to i32
      %cond3A = arith.constant 0 : i32
      %cond3A_524 = arith.cmpi ne, %convert_element_type3A, %cond3A : i32
      scf.if %cond3A_524 {
        %sub3A = arith.constant 2 : i32
        %sub3A_1187 = arith.subi %add3A_74, %sub3A : i32
        %mul3A_1188 = arith.constant 256 : i32
        %mul3A_1189 = arith.muli %sub3A_1187, %mul3A_1188 : i32
        %add3A_1190 = arith.addi %mul3A_2, %mul3A_1189 : i32
        %dma_wait3A_1191 = arith.constant 0 : i32
        %dma_wait3A_1192 = arith.constant 0 : i32
        %dma_wait3A_1193 = arith.constant 0 : i32
        %dma_wait3A_1194 = tpu.memref_slice %arg6[%dma_wait3A_1191, %dma_wait3A_1192, %dma_wait3A_1193] : memref<2x256x128xf32, #tpu.memory_space<vmem>> -> memref<1x256x128xf32, #tpu.memory_space<vmem>>
        %dma_wait3A_1195 = tpu.memref_squeeze %dma_wait3A_1194 : memref<1x256x128xf32, #tpu.memory_space<vmem>> -> memref<256x128xf32, #tpu.memory_space<vmem>>
        %dma_wait3A_1196 = arith.constant 0 : i32
        %dma_wait3A_1197 = tpu.memref_slice %arg4[%add3A_1190, %dma_wait3A_1196] : memref<3276800x128xf32, #tpu.memory_space<hbm>> -> memref<256x128xf32, #tpu.memory_space<hbm>>
        %dma_wait3A_1198 = arith.constant 0 : i32
        %dma_wait3A_1199 = tpu.memref_slice %arg4[%add3A_1190, %dma_wait3A_1198] : memref<3276800x128xf32, #tpu.memory_space<hbm>> -> memref<256x128xf32, #tpu.memory_space<hbm>>
        %dma_wait3A_1200 = arith.constant 0 : i32
        %dma_wait3A_1201 = arith.constant 0 : i32
        %dma_wait3A_1202 = tpu.memref_slice %arg6[%dma_wait3A_1191, %dma_wait3A_1200, %dma_wait3A_1201] : memref<2x256x128xf32, #tpu.memory_space<vmem>> -> memref<1x256x128xf32, #tpu.memory_space<vmem>>
        %dma_wait3A_1203 = tpu.memref_squeeze %dma_wait3A_1202 : memref<1x256x128xf32, #tpu.memory_space<vmem>> -> memref<256x128xf32, #tpu.memory_space<vmem>>
        tpu.wait_dma2 semaphore(%arg12 : memref<!tpu.dma_semaphore, #tpu.memory_space<semaphore_mem>>) src(%dma_wait3A_1203 : memref<256x128xf32, #tpu.memory_space<vmem>>) dst(%dma_wait3A_1199 : memref<256x128xf32, #tpu.memory_space<hbm>>)
      } else {
      }
      %dma_start3A_525 = arith.constant 0 : i32
      %dma_start3A_526 = arith.constant 0 : i32
      %dma_start3A_527 = arith.constant 0 : i32
      %dma_start3A_528 = arith.constant 0 : i32
      %dma_start3A_529 = arith.constant 0 : i32
      %dma_start3A_530 = tpu.memref_slice %arg6[%dma_start3A_527, %dma_start3A_528, %dma_start3A_529] : memref<2x256x128xf32, #tpu.memory_space<vmem>> -> memref<1x256x128xf32, #tpu.memory_space<vmem>>
      %dma_start3A_531 = tpu.memref_squeeze %dma_start3A_530 : memref<1x256x128xf32, #tpu.memory_space<vmem>> -> memref<256x128xf32, #tpu.memory_space<vmem>>
      %dma_start3A_532 = arith.constant 0 : i32
      %dma_start3A_533 = arith.constant 0 : i32
      %dma_start3A_534 = tpu.memref_slice %dma_start3A_531[%dma_start3A_532, %dma_start3A_533] : memref<256x128xf32, #tpu.memory_space<vmem>> -> memref<128x128xf32, #tpu.memory_space<vmem>>
      %dma_start3A_535 = arith.constant 0 : i32
      %dma_start3A_536 = arith.constant 0 : i32
      %dma_start3A_537 = tpu.memref_slice %arg5[%dma_start3A_525, %dma_start3A_535, %dma_start3A_536] : memref<2x2x128xi32, #tpu.memory_space<vmem>> -> memref<1x2x128xi32, #tpu.memory_space<vmem>>
      %dma_start3A_538 = tpu.memref_squeeze %dma_start3A_537 : memref<1x2x128xi32, #tpu.memory_space<vmem>> -> memref<2x128xi32, #tpu.memory_space<vmem>>
      %dma_start3A_539 = arith.constant 0 : i32
      %dma_start3A_540 = tpu.memref_slice %dma_start3A_538[%dma_start3A_526, %dma_start3A_539] : memref<2x128xi32, #tpu.memory_space<vmem>> -> memref<1x128xi32, #tpu.memory_space<vmem>>
      %dma_start3A_541 = tpu.memref_squeeze %dma_start3A_540 : memref<1x128xi32, #tpu.memory_space<vmem>> -> memref<128xi32, #tpu.memory_space<vmem>>
      %dma_start3A_542 = arith.constant 0 : i32
      %dma_start3A_543 = arith.constant 0 : i32
      %dma_start3A_544 = tpu.memref_slice %arg7[%dma_start3A_542, %dma_start3A_543] : memref<2048x128xf32, #tpu.memory_space<vmem_shared>> -> memref<2048x128xf32, #tpu.memory_space<vmem_shared>>
      tpu.enqueue_indirect_dma source(%dma_start3A_544 : memref<2048x128xf32, #tpu.memory_space<vmem_shared>>) target(%dma_start3A_534 : memref<128x128xf32, #tpu.memory_space<vmem>>) offsets(%dma_start3A_541 : memref<128xi32, #tpu.memory_space<vmem>>) semaphore(%arg10 : memref<!tpu.dma_semaphore, #tpu.memory_space<semaphore_mem>>)
      %dma_start3A_545 = arith.constant 0 : i32
      %dma_start3A_546 = arith.constant 1 : i32
      %dma_start3A_547 = arith.constant 0 : i32
      %dma_start3A_548 = arith.constant 0 : i32
      %dma_start3A_549 = arith.constant 0 : i32
      %dma_start3A_550 = tpu.memref_slice %arg6[%dma_start3A_547, %dma_start3A_548, %dma_start3A_549] : memref<2x256x128xf32, #tpu.memory_space<vmem>> -> memref<1x256x128xf32, #tpu.memory_space<vmem>>
      %dma_start3A_551 = tpu.memref_squeeze %dma_start3A_550 : memref<1x256x128xf32, #tpu.memory_space<vmem>> -> memref<256x128xf32, #tpu.memory_space<vmem>>
      %dma_start3A_552 = arith.constant 128 : i32
      %dma_start3A_553 = arith.constant 0 : i32
      %dma_start3A_554 = tpu.memref_slice %dma_start3A_551[%dma_start3A_552, %dma_start3A_553] : memref<256x128xf32, #tpu.memory_space<vmem>> -> memref<128x128xf32, #tpu.memory_space<vmem>>
      %dma_start3A_555 = arith.constant 0 : i32
      %dma_start3A_556 = arith.constant 0 : i32
      %dma_start3A_557 = tpu.memref_slice %arg5[%dma_start3A_545, %dma_start3A_555, %dma_start3A_556] : memref<2x2x128xi32, #tpu.memory_space<vmem>> -> memref<1x2x128xi32, #tpu.memory_space<vmem>>
      %dma_start3A_558 = tpu.memref_squeeze %dma_start3A_557 : memref<1x2x128xi32, #tpu.memory_space<vmem>> -> memref<2x128xi32, #tpu.memory_space<vmem>>
      %dma_start3A_559 = arith.constant 0 : i32
      %dma_start3A_560 = tpu.memref_slice %dma_start3A_558[%dma_start3A_546, %dma_start3A_559] : memref<2x128xi32, #tpu.memory_space<vmem>> -> memref<1x128xi32, #tpu.memory_space<vmem>>
      %dma_start3A_561 = tpu.memref_squeeze %dma_start3A_560 : memref<1x128xi32, #tpu.memory_space<vmem>> -> memref<128xi32, #tpu.memory_space<vmem>>
      %dma_start3A_562 = arith.constant 0 : i32
      %dma_start3A_563 = arith.constant 0 : i32
      %dma_start3A_564 = tpu.memref_slice %arg7[%dma_start3A_562, %dma_start3A_563] : memref<2048x128xf32, #tpu.memory_space<vmem_shared>> -> memref<2048x128xf32, #tpu.memory_space<vmem_shared>>
      tpu.enqueue_indirect_dma source(%dma_start3A_564 : memref<2048x128xf32, #tpu.memory_space<vmem_shared>>) target(%dma_start3A_554 : memref<128x128xf32, #tpu.memory_space<vmem>>) offsets(%dma_start3A_561 : memref<128xi32, #tpu.memory_space<vmem>>) semaphore(%arg10 : memref<!tpu.dma_semaphore, #tpu.memory_space<semaphore_mem>>)
      %dma_wait3A_565 = arith.constant 0 : i32
      %dma_wait3A_566 = arith.constant 0 : i32
      %dma_wait3A_567 = arith.constant 0 : i32
      %dma_wait3A_568 = arith.constant 0 : i32
      %dma_wait3A_569 = arith.constant 0 : i32
      %dma_wait3A_570 = tpu.memref_slice %arg6[%dma_wait3A_567, %dma_wait3A_568, %dma_wait3A_569] : memref<2x256x128xf32, #tpu.memory_space<vmem>> -> memref<1x256x128xf32, #tpu.memory_space<vmem>>
      %dma_wait3A_571 = tpu.memref_squeeze %dma_wait3A_570 : memref<1x256x128xf32, #tpu.memory_space<vmem>> -> memref<256x128xf32, #tpu.memory_space<vmem>>
      %dma_wait3A_572 = arith.constant 0 : i32
      %dma_wait3A_573 = arith.constant 0 : i32
      %dma_wait3A_574 = tpu.memref_slice %dma_wait3A_571[%dma_wait3A_572, %dma_wait3A_573] : memref<256x128xf32, #tpu.memory_space<vmem>> -> memref<128x128xf32, #tpu.memory_space<vmem>>
      %dma_wait3A_575 = arith.constant 0 : i32
      %dma_wait3A_576 = arith.constant 0 : i32
      %dma_wait3A_577 = tpu.memref_slice %arg5[%dma_wait3A_565, %dma_wait3A_575, %dma_wait3A_576] : memref<2x2x128xi32, #tpu.memory_space<vmem>> -> memref<1x2x128xi32, #tpu.memory_space<vmem>>
      %dma_wait3A_578 = tpu.memref_squeeze %dma_wait3A_577 : memref<1x2x128xi32, #tpu.memory_space<vmem>> -> memref<2x128xi32, #tpu.memory_space<vmem>>
      %dma_wait3A_579 = arith.constant 0 : i32
      %dma_wait3A_580 = tpu.memref_slice %dma_wait3A_578[%dma_wait3A_566, %dma_wait3A_579] : memref<2x128xi32, #tpu.memory_space<vmem>> -> memref<1x128xi32, #tpu.memory_space<vmem>>
      %dma_wait3A_581 = tpu.memref_squeeze %dma_wait3A_580 : memref<1x128xi32, #tpu.memory_space<vmem>> -> memref<128xi32, #tpu.memory_space<vmem>>
      %dma_wait3A_582 = arith.constant 0 : i32
      %dma_wait3A_583 = arith.constant 0 : i32
      %dma_wait3A_584 = tpu.memref_slice %arg7[%dma_wait3A_582, %dma_wait3A_583] : memref<2048x128xf32, #tpu.memory_space<vmem_shared>> -> memref<2048x128xf32, #tpu.memory_space<vmem_shared>>
      tpu.wait_indirect_dma semaphore(%arg10 : memref<!tpu.dma_semaphore, #tpu.memory_space<semaphore_mem>>) src(%dma_wait3A_584 : memref<2048x128xf32, #tpu.memory_space<vmem_shared>>) dst(%dma_wait3A_574 : memref<128x128xf32, #tpu.memory_space<vmem>>)
      %dma_wait3A_585 = arith.constant 0 : i32
      %dma_wait3A_586 = arith.constant 1 : i32
      %dma_wait3A_587 = arith.constant 0 : i32
      %dma_wait3A_588 = arith.constant 0 : i32
      %dma_wait3A_589 = arith.constant 0 : i32
      %dma_wait3A_590 = tpu.memref_slice %arg6[%dma_wait3A_587, %dma_wait3A_588, %dma_wait3A_589] : memref<2x256x128xf32, #tpu.memory_space<vmem>> -> memref<1x256x128xf32, #tpu.memory_space<vmem>>
      %dma_wait3A_591 = tpu.memref_squeeze %dma_wait3A_590 : memref<1x256x128xf32, #tpu.memory_space<vmem>> -> memref<256x128xf32, #tpu.memory_space<vmem>>
      %dma_wait3A_592 = arith.constant 128 : i32
      %dma_wait3A_593 = arith.constant 0 : i32
      %dma_wait3A_594 = tpu.memref_slice %dma_wait3A_591[%dma_wait3A_592, %dma_wait3A_593] : memref<256x128xf32, #tpu.memory_space<vmem>> -> memref<128x128xf32, #tpu.memory_space<vmem>>
      %dma_wait3A_595 = arith.constant 0 : i32
      %dma_wait3A_596 = arith.constant 0 : i32
      %dma_wait3A_597 = tpu.memref_slice %arg5[%dma_wait3A_585, %dma_wait3A_595, %dma_wait3A_596] : memref<2x2x128xi32, #tpu.memory_space<vmem>> -> memref<1x2x128xi32, #tpu.memory_space<vmem>>
      %dma_wait3A_598 = tpu.memref_squeeze %dma_wait3A_597 : memref<1x2x128xi32, #tpu.memory_space<vmem>> -> memref<2x128xi32, #tpu.memory_space<vmem>>
      %dma_wait3A_599 = arith.constant 0 : i32
      %dma_wait3A_600 = tpu.memref_slice %dma_wait3A_598[%dma_wait3A_586, %dma_wait3A_599] : memref<2x128xi32, #tpu.memory_space<vmem>> -> memref<1x128xi32, #tpu.memory_space<vmem>>
      %dma_wait3A_601 = tpu.memref_squeeze %dma_wait3A_600 : memref<1x128xi32, #tpu.memory_space<vmem>> -> memref<128xi32, #tpu.memory_space<vmem>>
      %dma_wait3A_602 = arith.constant 0 : i32
      %dma_wait3A_603 = arith.constant 0 : i32
      %dma_wait3A_604 = tpu.memref_slice %arg7[%dma_wait3A_602, %dma_wait3A_603] : memref<2048x128xf32, #tpu.memory_space<vmem_shared>> -> memref<2048x128xf32, #tpu.memory_space<vmem_shared>>
      tpu.wait_indirect_dma semaphore(%arg10 : memref<!tpu.dma_semaphore, #tpu.memory_space<semaphore_mem>>) src(%dma_wait3A_604 : memref<2048x128xf32, #tpu.memory_space<vmem_shared>>) dst(%dma_wait3A_594 : memref<128x128xf32, #tpu.memory_space<vmem>>)
      %add3A_605 = arith.constant 2 : i32
      %add3A_606 = arith.addi %add3A_74, %add3A_605 : i32
      %lt3A = arith.constant 400 : i32
      %lt3A_607 = arith.cmpi slt, %add3A_606, %lt3A : i32
      %convert_element_type3A_608 = arith.extui %lt3A_607 : i1 to i32
      %cond3A_609 = arith.constant 0 : i32
      %cond3A_610 = arith.cmpi ne, %convert_element_type3A_608, %cond3A_609 : i32
      scf.if %cond3A_610 {
        %add3A_1187 = arith.constant 2 : i32
        %add3A_1188 = arith.addi %add3A_74, %add3A_1187 : i32
        %mul3A_1189 = arith.constant 2 : i32
        %mul3A_1190 = arith.muli %add3A_1188, %mul3A_1189 : i32
        %add3A_1191 = arith.addi %mul3A_4, %mul3A_1190 : i32
        %dma_start3A_1192 = arith.constant 0 : i32
        %dma_start3A_1193 = arith.constant 0 : i32
        %dma_start3A_1194 = arith.constant 0 : i32
        %dma_start3A_1195 = tpu.memref_slice %arg5[%dma_start3A_1192, %dma_start3A_1193, %dma_start3A_1194] : memref<2x2x128xi32, #tpu.memory_space<vmem>> -> memref<1x2x128xi32, #tpu.memory_space<vmem>>
        %dma_start3A_1196 = tpu.memref_squeeze %dma_start3A_1195 : memref<1x2x128xi32, #tpu.memory_space<vmem>> -> memref<2x128xi32, #tpu.memory_space<vmem>>
        %dma_start3A_1197 = arith.constant 0 : i32
        %dma_start3A_1198 = tpu.memref_slice %arg3[%add3A_1191, %dma_start3A_1197] : memref<25600x128xi32, #tpu.memory_space<hbm>> -> memref<2x128xi32, #tpu.memory_space<hbm>>
        %dma_start3A_1199 = arith.constant 0 : i32
        %dma_start3A_1200 = arith.constant 0 : i32
        %dma_start3A_1201 = tpu.memref_slice %arg5[%dma_start3A_1192, %dma_start3A_1199, %dma_start3A_1200] : memref<2x2x128xi32, #tpu.memory_space<vmem>> -> memref<1x2x128xi32, #tpu.memory_space<vmem>>
        %dma_start3A_1202 = tpu.memref_squeeze %dma_start3A_1201 : memref<1x2x128xi32, #tpu.memory_space<vmem>> -> memref<2x128xi32, #tpu.memory_space<vmem>>
        %dma_start3A_1203 = arith.constant 0 : i32
        %dma_start3A_1204 = tpu.memref_slice %arg3[%add3A_1191, %dma_start3A_1203] : memref<25600x128xi32, #tpu.memory_space<hbm>> -> memref<2x128xi32, #tpu.memory_space<hbm>>
        tpu.enqueue_dma source(%dma_start3A_1204 : memref<2x128xi32, #tpu.memory_space<hbm>>) target(%dma_start3A_1202 : memref<2x128xi32, #tpu.memory_space<vmem>>) target_semaphore(%arg8 : memref<!tpu.dma_semaphore, #tpu.memory_space<semaphore_mem>>)
      } else {
      }
      %mul3A_611 = arith.constant 256 : i32
      %mul3A_612 = arith.muli %add3A_74, %mul3A_611 : i32
      %add3A_613 = arith.addi %mul3A_2, %mul3A_612 : i32
      %dma_start3A_614 = arith.constant 0 : i32
      %dma_start3A_615 = arith.constant 0 : i32
      %dma_start3A_616 = arith.constant 0 : i32
      %dma_start3A_617 = tpu.memref_slice %arg6[%dma_start3A_614, %dma_start3A_615, %dma_start3A_616] : memref<2x256x128xf32, #tpu.memory_space<vmem>> -> memref<1x256x128xf32, #tpu.memory_space<vmem>>
      %dma_start3A_618 = tpu.memref_squeeze %dma_start3A_617 : memref<1x256x128xf32, #tpu.memory_space<vmem>> -> memref<256x128xf32, #tpu.memory_space<vmem>>
      %dma_start3A_619 = arith.constant 0 : i32
      %dma_start3A_620 = tpu.memref_slice %arg4[%add3A_613, %dma_start3A_619] : memref<3276800x128xf32, #tpu.memory_space<hbm>> -> memref<256x128xf32, #tpu.memory_space<hbm>>
      %dma_start3A_621 = arith.constant 0 : i32
      %dma_start3A_622 = tpu.memref_slice %arg4[%add3A_613, %dma_start3A_621] : memref<3276800x128xf32, #tpu.memory_space<hbm>> -> memref<256x128xf32, #tpu.memory_space<hbm>>
      %dma_start3A_623 = arith.constant 0 : i32
      %dma_start3A_624 = arith.constant 0 : i32
      %dma_start3A_625 = tpu.memref_slice %arg6[%dma_start3A_614, %dma_start3A_623, %dma_start3A_624] : memref<2x256x128xf32, #tpu.memory_space<vmem>> -> memref<1x256x128xf32, #tpu.memory_space<vmem>>
      %dma_start3A_626 = tpu.memref_squeeze %dma_start3A_625 : memref<1x256x128xf32, #tpu.memory_space<vmem>> -> memref<256x128xf32, #tpu.memory_space<vmem>>
      tpu.enqueue_dma source(%dma_start3A_626 : memref<256x128xf32, #tpu.memory_space<vmem>>) target(%dma_start3A_622 : memref<256x128xf32, #tpu.memory_space<hbm>>) target_semaphore(%arg12 : memref<!tpu.dma_semaphore, #tpu.memory_space<semaphore_mem>>)
      %add3A_627 = arith.constant 1 : i32
      %add3A_628 = arith.addi %mul3A_72, %add3A_627 : i32
      %mul3A_629 = arith.constant 2 : i32
      %mul3A_630 = arith.muli %add3A_628, %mul3A_629 : i32
      %add3A_631 = arith.addi %mul3A_4, %mul3A_630 : i32
      %dma_wait3A_632 = arith.constant 1 : i32
      %dma_wait3A_633 = arith.constant 0 : i32
      %dma_wait3A_634 = arith.constant 0 : i32
      %dma_wait3A_635 = tpu.memref_slice %arg5[%dma_wait3A_632, %dma_wait3A_633, %dma_wait3A_634] : memref<2x2x128xi32, #tpu.memory_space<vmem>> -> memref<1x2x128xi32, #tpu.memory_space<vmem>>
      %dma_wait3A_636 = tpu.memref_squeeze %dma_wait3A_635 : memref<1x2x128xi32, #tpu.memory_space<vmem>> -> memref<2x128xi32, #tpu.memory_space<vmem>>
      %dma_wait3A_637 = arith.constant 0 : i32
      %dma_wait3A_638 = tpu.memref_slice %arg3[%add3A_631, %dma_wait3A_637] : memref<25600x128xi32, #tpu.memory_space<hbm>> -> memref<2x128xi32, #tpu.memory_space<hbm>>
      %dma_wait3A_639 = arith.constant 0 : i32
      %dma_wait3A_640 = arith.constant 0 : i32
      %dma_wait3A_641 = tpu.memref_slice %arg5[%dma_wait3A_632, %dma_wait3A_639, %dma_wait3A_640] : memref<2x2x128xi32, #tpu.memory_space<vmem>> -> memref<1x2x128xi32, #tpu.memory_space<vmem>>
      %dma_wait3A_642 = tpu.memref_squeeze %dma_wait3A_641 : memref<1x2x128xi32, #tpu.memory_space<vmem>> -> memref<2x128xi32, #tpu.memory_space<vmem>>
      %dma_wait3A_643 = arith.constant 0 : i32
      %dma_wait3A_644 = tpu.memref_slice %arg3[%add3A_631, %dma_wait3A_643] : memref<25600x128xi32, #tpu.memory_space<hbm>> -> memref<2x128xi32, #tpu.memory_space<hbm>>
      tpu.wait_dma2 semaphore(%arg9 : memref<!tpu.dma_semaphore, #tpu.memory_space<semaphore_mem>>) src(%dma_wait3A_644 : memref<2x128xi32, #tpu.memory_space<hbm>>) dst(%dma_wait3A_642 : memref<2x128xi32, #tpu.memory_space<vmem>>)
      %mul3A_645 = arith.constant 128 : i32
      %mul3A_646 = arith.muli %arg1, %mul3A_645 : i32
      %get3A_647 = arith.constant 1 : i32
      %get3A_648 = arith.constant 0 : i32
      %get3A_649 = arith.constant 0 : i32
      %get3A_650 = arith.constant 0 : i32
      %get3A_651 = tpu.memref_slice %arg5[%get3A_647, %get3A_649, %get3A_650] : memref<2x2x128xi32, #tpu.memory_space<vmem>> -> memref<1x2x128xi32, #tpu.memory_space<vmem>>
      %get3A_652 = tpu.memref_squeeze %get3A_651 : memref<1x2x128xi32, #tpu.memory_space<vmem>> -> memref<2x128xi32, #tpu.memory_space<vmem>>
      %get3A_653 = arith.constant 0 : i32
      %get3A_654 = tpu.memref_slice %get3A_652[%get3A_648, %get3A_653] : memref<2x128xi32, #tpu.memory_space<vmem>> -> memref<1x128xi32, #tpu.memory_space<vmem>>
      %get3A_655 = tpu.memref_squeeze %get3A_654 : memref<1x128xi32, #tpu.memory_space<vmem>> -> memref<128xi32, #tpu.memory_space<vmem>>
      %get3A_656 = arith.constant 0 : index
      %get3A_657 = tpu.vector_load %get3A_655[%get3A_656] {strides = array<i32>} : memref<128xi32, #tpu.memory_space<vmem>>, vector<16xi32>,
      %get3A_658 = vector.shape_cast %get3A_657 : vector<16xi32> to vector<16xi32>
      %add3A_659 = vector.broadcast %mul3A_646 : i32 to vector<16xi32>
      %add3A_660 = arith.addi %get3A_658, %add3A_659 : vector<16xi32>
      %swap3A_661 = arith.constant 1 : i32
      %swap3A_662 = arith.constant 0 : i32
      %swap3A_663 = arith.constant 0 : i32
      %swap3A_664 = arith.constant 0 : i32
      %swap3A_665 = tpu.memref_slice %arg5[%swap3A_661, %swap3A_663, %swap3A_664] : memref<2x2x128xi32, #tpu.memory_space<vmem>> -> memref<1x2x128xi32, #tpu.memory_space<vmem>>
      %swap3A_666 = tpu.memref_squeeze %swap3A_665 : memref<1x2x128xi32, #tpu.memory_space<vmem>> -> memref<2x128xi32, #tpu.memory_space<vmem>>
      %swap3A_667 = arith.constant 0 : i32
      %swap3A_668 = tpu.memref_slice %swap3A_666[%swap3A_662, %swap3A_667] : memref<2x128xi32, #tpu.memory_space<vmem>> -> memref<1x128xi32, #tpu.memory_space<vmem>>
      %swap3A_669 = tpu.memref_squeeze %swap3A_668 : memref<1x128xi32, #tpu.memory_space<vmem>> -> memref<128xi32, #tpu.memory_space<vmem>>
      %swap3A_670 = arith.constant 0 : index
      %swap3A_671 = tpu.vector_load %swap3A_669[%swap3A_670] {strides = array<i32>} : memref<128xi32, #tpu.memory_space<vmem>>, vector<16xi32>,
      %swap3A_672 = vector.shape_cast %swap3A_671 : vector<16xi32> to vector<16xi32>
      %swap3A_673 = vector.shape_cast %add3A_660 : vector<16xi32> to vector<16xi32>
      tpu.vector_store %swap3A_669[%swap3A_670], %swap3A_673 {strides = array<i32>} : memref<128xi32, #tpu.memory_space<vmem>>, vector<16xi32>,
      %get3A_674 = arith.constant 1 : i32
      %get3A_675 = arith.constant 0 : i32
      %get3A_676 = arith.constant 0 : i32
      %get3A_677 = arith.constant 0 : i32
      %get3A_678 = tpu.memref_slice %arg5[%get3A_674, %get3A_676, %get3A_677] : memref<2x2x128xi32, #tpu.memory_space<vmem>> -> memref<1x2x128xi32, #tpu.memory_space<vmem>>
      %get3A_679 = tpu.memref_squeeze %get3A_678 : memref<1x2x128xi32, #tpu.memory_space<vmem>> -> memref<2x128xi32, #tpu.memory_space<vmem>>
      %get3A_680 = arith.constant 0 : i32
      %get3A_681 = tpu.memref_slice %get3A_679[%get3A_675, %get3A_680] : memref<2x128xi32, #tpu.memory_space<vmem>> -> memref<1x128xi32, #tpu.memory_space<vmem>>
      %get3A_682 = tpu.memref_squeeze %get3A_681 : memref<1x128xi32, #tpu.memory_space<vmem>> -> memref<128xi32, #tpu.memory_space<vmem>>
      %get3A_683 = arith.constant 16 : index
      %get3A_684 = tpu.vector_load %get3A_682[%get3A_683] {strides = array<i32>} : memref<128xi32, #tpu.memory_space<vmem>>, vector<16xi32>,
      %get3A_685 = vector.shape_cast %get3A_684 : vector<16xi32> to vector<16xi32>
      %add3A_686 = vector.broadcast %mul3A_646 : i32 to vector<16xi32>
      %add3A_687 = arith.addi %get3A_685, %add3A_686 : vector<16xi32>
      %swap3A_688 = arith.constant 1 : i32
      %swap3A_689 = arith.constant 0 : i32
      %swap3A_690 = arith.constant 0 : i32
      %swap3A_691 = arith.constant 0 : i32
      %swap3A_692 = tpu.memref_slice %arg5[%swap3A_688, %swap3A_690, %swap3A_691] : memref<2x2x128xi32, #tpu.memory_space<vmem>> -> memref<1x2x128xi32, #tpu.memory_space<vmem>>
      %swap3A_693 = tpu.memref_squeeze %swap3A_692 : memref<1x2x128xi32, #tpu.memory_space<vmem>> -> memref<2x128xi32, #tpu.memory_space<vmem>>
      %swap3A_694 = arith.constant 0 : i32
      %swap3A_695 = tpu.memref_slice %swap3A_693[%swap3A_689, %swap3A_694] : memref<2x128xi32, #tpu.memory_space<vmem>> -> memref<1x128xi32, #tpu.memory_space<vmem>>
      %swap3A_696 = tpu.memref_squeeze %swap3A_695 : memref<1x128xi32, #tpu.memory_space<vmem>> -> memref<128xi32, #tpu.memory_space<vmem>>
      %swap3A_697 = arith.constant 16 : index
      %swap3A_698 = tpu.vector_load %swap3A_696[%swap3A_697] {strides = array<i32>} : memref<128xi32, #tpu.memory_space<vmem>>, vector<16xi32>,
      %swap3A_699 = vector.shape_cast %swap3A_698 : vector<16xi32> to vector<16xi32>
      %swap3A_700 = vector.shape_cast %add3A_687 : vector<16xi32> to vector<16xi32>
      tpu.vector_store %swap3A_696[%swap3A_697], %swap3A_700 {strides = array<i32>} : memref<128xi32, #tpu.memory_space<vmem>>, vector<16xi32>,
      %get3A_701 = arith.constant 1 : i32
      %get3A_702 = arith.constant 0 : i32
      %get3A_703 = arith.constant 0 : i32
      %get3A_704 = arith.constant 0 : i32
      %get3A_705 = tpu.memref_slice %arg5[%get3A_701, %get3A_703, %get3A_704] : memref<2x2x128xi32, #tpu.memory_space<vmem>> -> memref<1x2x128xi32, #tpu.memory_space<vmem>>
      %get3A_706 = tpu.memref_squeeze %get3A_705 : memref<1x2x128xi32, #tpu.memory_space<vmem>> -> memref<2x128xi32, #tpu.memory_space<vmem>>
      %get3A_707 = arith.constant 0 : i32
      %get3A_708 = tpu.memref_slice %get3A_706[%get3A_702, %get3A_707] : memref<2x128xi32, #tpu.memory_space<vmem>> -> memref<1x128xi32, #tpu.memory_space<vmem>>
      %get3A_709 = tpu.memref_squeeze %get3A_708 : memref<1x128xi32, #tpu.memory_space<vmem>> -> memref<128xi32, #tpu.memory_space<vmem>>
      %get3A_710 = arith.constant 32 : index
      %get3A_711 = tpu.vector_load %get3A_709[%get3A_710] {strides = array<i32>} : memref<128xi32, #tpu.memory_space<vmem>>, vector<16xi32>,
      %get3A_712 = vector.shape_cast %get3A_711 : vector<16xi32> to vector<16xi32>
      %add3A_713 = vector.broadcast %mul3A_646 : i32 to vector<16xi32>
      %add3A_714 = arith.addi %get3A_712, %add3A_713 : vector<16xi32>
      %swap3A_715 = arith.constant 1 : i32
      %swap3A_716 = arith.constant 0 : i32
      %swap3A_717 = arith.constant 0 : i32
      %swap3A_718 = arith.constant 0 : i32
      %swap3A_719 = tpu.memref_slice %arg5[%swap3A_715, %swap3A_717, %swap3A_718] : memref<2x2x128xi32, #tpu.memory_space<vmem>> -> memref<1x2x128xi32, #tpu.memory_space<vmem>>
      %swap3A_720 = tpu.memref_squeeze %swap3A_719 : memref<1x2x128xi32, #tpu.memory_space<vmem>> -> memref<2x128xi32, #tpu.memory_space<vmem>>
      %swap3A_721 = arith.constant 0 : i32
      %swap3A_722 = tpu.memref_slice %swap3A_720[%swap3A_716, %swap3A_721] : memref<2x128xi32, #tpu.memory_space<vmem>> -> memref<1x128xi32, #tpu.memory_space<vmem>>
      %swap3A_723 = tpu.memref_squeeze %swap3A_722 : memref<1x128xi32, #tpu.memory_space<vmem>> -> memref<128xi32, #tpu.memory_space<vmem>>
      %swap3A_724 = arith.constant 32 : index
      %swap3A_725 = tpu.vector_load %swap3A_723[%swap3A_724] {strides = array<i32>} : memref<128xi32, #tpu.memory_space<vmem>>, vector<16xi32>,
      %swap3A_726 = vector.shape_cast %swap3A_725 : vector<16xi32> to vector<16xi32>
      %swap3A_727 = vector.shape_cast %add3A_714 : vector<16xi32> to vector<16xi32>
      tpu.vector_store %swap3A_723[%swap3A_724], %swap3A_727 {strides = array<i32>} : memref<128xi32, #tpu.memory_space<vmem>>, vector<16xi32>,
      %get3A_728 = arith.constant 1 : i32
      %get3A_729 = arith.constant 0 : i32
      %get3A_730 = arith.constant 0 : i32
      %get3A_731 = arith.constant 0 : i32
      %get3A_732 = tpu.memref_slice %arg5[%get3A_728, %get3A_730, %get3A_731] : memref<2x2x128xi32, #tpu.memory_space<vmem>> -> memref<1x2x128xi32, #tpu.memory_space<vmem>>
      %get3A_733 = tpu.memref_squeeze %get3A_732 : memref<1x2x128xi32, #tpu.memory_space<vmem>> -> memref<2x128xi32, #tpu.memory_space<vmem>>
      %get3A_734 = arith.constant 0 : i32
      %get3A_735 = tpu.memref_slice %get3A_733[%get3A_729, %get3A_734] : memref<2x128xi32, #tpu.memory_space<vmem>> -> memref<1x128xi32, #tpu.memory_space<vmem>>
      %get3A_736 = tpu.memref_squeeze %get3A_735 : memref<1x128xi32, #tpu.memory_space<vmem>> -> memref<128xi32, #tpu.memory_space<vmem>>
      %get3A_737 = arith.constant 48 : index
      %get3A_738 = tpu.vector_load %get3A_736[%get3A_737] {strides = array<i32>} : memref<128xi32, #tpu.memory_space<vmem>>, vector<16xi32>,
      %get3A_739 = vector.shape_cast %get3A_738 : vector<16xi32> to vector<16xi32>
      %add3A_740 = vector.broadcast %mul3A_646 : i32 to vector<16xi32>
      %add3A_741 = arith.addi %get3A_739, %add3A_740 : vector<16xi32>
      %swap3A_742 = arith.constant 1 : i32
      %swap3A_743 = arith.constant 0 : i32
      %swap3A_744 = arith.constant 0 : i32
      %swap3A_745 = arith.constant 0 : i32
      %swap3A_746 = tpu.memref_slice %arg5[%swap3A_742, %swap3A_744, %swap3A_745] : memref<2x2x128xi32, #tpu.memory_space<vmem>> -> memref<1x2x128xi32, #tpu.memory_space<vmem>>
      %swap3A_747 = tpu.memref_squeeze %swap3A_746 : memref<1x2x128xi32, #tpu.memory_space<vmem>> -> memref<2x128xi32, #tpu.memory_space<vmem>>
      %swap3A_748 = arith.constant 0 : i32
      %swap3A_749 = tpu.memref_slice %swap3A_747[%swap3A_743, %swap3A_748] : memref<2x128xi32, #tpu.memory_space<vmem>> -> memref<1x128xi32, #tpu.memory_space<vmem>>
      %swap3A_750 = tpu.memref_squeeze %swap3A_749 : memref<1x128xi32, #tpu.memory_space<vmem>> -> memref<128xi32, #tpu.memory_space<vmem>>
      %swap3A_751 = arith.constant 48 : index
      %swap3A_752 = tpu.vector_load %swap3A_750[%swap3A_751] {strides = array<i32>} : memref<128xi32, #tpu.memory_space<vmem>>, vector<16xi32>,
      %swap3A_753 = vector.shape_cast %swap3A_752 : vector<16xi32> to vector<16xi32>
      %swap3A_754 = vector.shape_cast %add3A_741 : vector<16xi32> to vector<16xi32>
      tpu.vector_store %swap3A_750[%swap3A_751], %swap3A_754 {strides = array<i32>} : memref<128xi32, #tpu.memory_space<vmem>>, vector<16xi32>,
      %get3A_755 = arith.constant 1 : i32
      %get3A_756 = arith.constant 0 : i32
      %get3A_757 = arith.constant 0 : i32
      %get3A_758 = arith.constant 0 : i32
      %get3A_759 = tpu.memref_slice %arg5[%get3A_755, %get3A_757, %get3A_758] : memref<2x2x128xi32, #tpu.memory_space<vmem>> -> memref<1x2x128xi32, #tpu.memory_space<vmem>>
      %get3A_760 = tpu.memref_squeeze %get3A_759 : memref<1x2x128xi32, #tpu.memory_space<vmem>> -> memref<2x128xi32, #tpu.memory_space<vmem>>
      %get3A_761 = arith.constant 0 : i32
      %get3A_762 = tpu.memref_slice %get3A_760[%get3A_756, %get3A_761] : memref<2x128xi32, #tpu.memory_space<vmem>> -> memref<1x128xi32, #tpu.memory_space<vmem>>
      %get3A_763 = tpu.memref_squeeze %get3A_762 : memref<1x128xi32, #tpu.memory_space<vmem>> -> memref<128xi32, #tpu.memory_space<vmem>>
      %get3A_764 = arith.constant 64 : index
      %get3A_765 = tpu.vector_load %get3A_763[%get3A_764] {strides = array<i32>} : memref<128xi32, #tpu.memory_space<vmem>>, vector<16xi32>,
      %get3A_766 = vector.shape_cast %get3A_765 : vector<16xi32> to vector<16xi32>
      %add3A_767 = vector.broadcast %mul3A_646 : i32 to vector<16xi32>
      %add3A_768 = arith.addi %get3A_766, %add3A_767 : vector<16xi32>
      %swap3A_769 = arith.constant 1 : i32
      %swap3A_770 = arith.constant 0 : i32
      %swap3A_771 = arith.constant 0 : i32
      %swap3A_772 = arith.constant 0 : i32
      %swap3A_773 = tpu.memref_slice %arg5[%swap3A_769, %swap3A_771, %swap3A_772] : memref<2x2x128xi32, #tpu.memory_space<vmem>> -> memref<1x2x128xi32, #tpu.memory_space<vmem>>
      %swap3A_774 = tpu.memref_squeeze %swap3A_773 : memref<1x2x128xi32, #tpu.memory_space<vmem>> -> memref<2x128xi32, #tpu.memory_space<vmem>>
      %swap3A_775 = arith.constant 0 : i32
      %swap3A_776 = tpu.memref_slice %swap3A_774[%swap3A_770, %swap3A_775] : memref<2x128xi32, #tpu.memory_space<vmem>> -> memref<1x128xi32, #tpu.memory_space<vmem>>
      %swap3A_777 = tpu.memref_squeeze %swap3A_776 : memref<1x128xi32, #tpu.memory_space<vmem>> -> memref<128xi32, #tpu.memory_space<vmem>>
      %swap3A_778 = arith.constant 64 : index
      %swap3A_779 = tpu.vector_load %swap3A_777[%swap3A_778] {strides = array<i32>} : memref<128xi32, #tpu.memory_space<vmem>>, vector<16xi32>,
      %swap3A_780 = vector.shape_cast %swap3A_779 : vector<16xi32> to vector<16xi32>
      %swap3A_781 = vector.shape_cast %add3A_768 : vector<16xi32> to vector<16xi32>
      tpu.vector_store %swap3A_777[%swap3A_778], %swap3A_781 {strides = array<i32>} : memref<128xi32, #tpu.memory_space<vmem>>, vector<16xi32>,
      %get3A_782 = arith.constant 1 : i32
      %get3A_783 = arith.constant 0 : i32
      %get3A_784 = arith.constant 0 : i32
      %get3A_785 = arith.constant 0 : i32
      %get3A_786 = tpu.memref_slice %arg5[%get3A_782, %get3A_784, %get3A_785] : memref<2x2x128xi32, #tpu.memory_space<vmem>> -> memref<1x2x128xi32, #tpu.memory_space<vmem>>
      %get3A_787 = tpu.memref_squeeze %get3A_786 : memref<1x2x128xi32, #tpu.memory_space<vmem>> -> memref<2x128xi32, #tpu.memory_space<vmem>>
      %get3A_788 = arith.constant 0 : i32
      %get3A_789 = tpu.memref_slice %get3A_787[%get3A_783, %get3A_788] : memref<2x128xi32, #tpu.memory_space<vmem>> -> memref<1x128xi32, #tpu.memory_space<vmem>>
      %get3A_790 = tpu.memref_squeeze %get3A_789 : memref<1x128xi32, #tpu.memory_space<vmem>> -> memref<128xi32, #tpu.memory_space<vmem>>
      %get3A_791 = arith.constant 80 : index
      %get3A_792 = tpu.vector_load %get3A_790[%get3A_791] {strides = array<i32>} : memref<128xi32, #tpu.memory_space<vmem>>, vector<16xi32>,
      %get3A_793 = vector.shape_cast %get3A_792 : vector<16xi32> to vector<16xi32>
      %add3A_794 = vector.broadcast %mul3A_646 : i32 to vector<16xi32>
      %add3A_795 = arith.addi %get3A_793, %add3A_794 : vector<16xi32>
      %swap3A_796 = arith.constant 1 : i32
      %swap3A_797 = arith.constant 0 : i32
      %swap3A_798 = arith.constant 0 : i32
      %swap3A_799 = arith.constant 0 : i32
      %swap3A_800 = tpu.memref_slice %arg5[%swap3A_796, %swap3A_798, %swap3A_799] : memref<2x2x128xi32, #tpu.memory_space<vmem>> -> memref<1x2x128xi32, #tpu.memory_space<vmem>>
      %swap3A_801 = tpu.memref_squeeze %swap3A_800 : memref<1x2x128xi32, #tpu.memory_space<vmem>> -> memref<2x128xi32, #tpu.memory_space<vmem>>
      %swap3A_802 = arith.constant 0 : i32
      %swap3A_803 = tpu.memref_slice %swap3A_801[%swap3A_797, %swap3A_802] : memref<2x128xi32, #tpu.memory_space<vmem>> -> memref<1x128xi32, #tpu.memory_space<vmem>>
      %swap3A_804 = tpu.memref_squeeze %swap3A_803 : memref<1x128xi32, #tpu.memory_space<vmem>> -> memref<128xi32, #tpu.memory_space<vmem>>
      %swap3A_805 = arith.constant 80 : index
      %swap3A_806 = tpu.vector_load %swap3A_804[%swap3A_805] {strides = array<i32>} : memref<128xi32, #tpu.memory_space<vmem>>, vector<16xi32>,
      %swap3A_807 = vector.shape_cast %swap3A_806 : vector<16xi32> to vector<16xi32>
      %swap3A_808 = vector.shape_cast %add3A_795 : vector<16xi32> to vector<16xi32>
      tpu.vector_store %swap3A_804[%swap3A_805], %swap3A_808 {strides = array<i32>} : memref<128xi32, #tpu.memory_space<vmem>>, vector<16xi32>,
      %get3A_809 = arith.constant 1 : i32
      %get3A_810 = arith.constant 0 : i32
      %get3A_811 = arith.constant 0 : i32
      %get3A_812 = arith.constant 0 : i32
      %get3A_813 = tpu.memref_slice %arg5[%get3A_809, %get3A_811, %get3A_812] : memref<2x2x128xi32, #tpu.memory_space<vmem>> -> memref<1x2x128xi32, #tpu.memory_space<vmem>>
      %get3A_814 = tpu.memref_squeeze %get3A_813 : memref<1x2x128xi32, #tpu.memory_space<vmem>> -> memref<2x128xi32, #tpu.memory_space<vmem>>
      %get3A_815 = arith.constant 0 : i32
      %get3A_816 = tpu.memref_slice %get3A_814[%get3A_810, %get3A_815] : memref<2x128xi32, #tpu.memory_space<vmem>> -> memref<1x128xi32, #tpu.memory_space<vmem>>
      %get3A_817 = tpu.memref_squeeze %get3A_816 : memref<1x128xi32, #tpu.memory_space<vmem>> -> memref<128xi32, #tpu.memory_space<vmem>>
      %get3A_818 = arith.constant 96 : index
      %get3A_819 = tpu.vector_load %get3A_817[%get3A_818] {strides = array<i32>} : memref<128xi32, #tpu.memory_space<vmem>>, vector<16xi32>,
      %get3A_820 = vector.shape_cast %get3A_819 : vector<16xi32> to vector<16xi32>
      %add3A_821 = vector.broadcast %mul3A_646 : i32 to vector<16xi32>
      %add3A_822 = arith.addi %get3A_820, %add3A_821 : vector<16xi32>
      %swap3A_823 = arith.constant 1 : i32
      %swap3A_824 = arith.constant 0 : i32
      %swap3A_825 = arith.constant 0 : i32
      %swap3A_826 = arith.constant 0 : i32
      %swap3A_827 = tpu.memref_slice %arg5[%swap3A_823, %swap3A_825, %swap3A_826] : memref<2x2x128xi32, #tpu.memory_space<vmem>> -> memref<1x2x128xi32, #tpu.memory_space<vmem>>
      %swap3A_828 = tpu.memref_squeeze %swap3A_827 : memref<1x2x128xi32, #tpu.memory_space<vmem>> -> memref<2x128xi32, #tpu.memory_space<vmem>>
      %swap3A_829 = arith.constant 0 : i32
      %swap3A_830 = tpu.memref_slice %swap3A_828[%swap3A_824, %swap3A_829] : memref<2x128xi32, #tpu.memory_space<vmem>> -> memref<1x128xi32, #tpu.memory_space<vmem>>
      %swap3A_831 = tpu.memref_squeeze %swap3A_830 : memref<1x128xi32, #tpu.memory_space<vmem>> -> memref<128xi32, #tpu.memory_space<vmem>>
      %swap3A_832 = arith.constant 96 : index
      %swap3A_833 = tpu.vector_load %swap3A_831[%swap3A_832] {strides = array<i32>} : memref<128xi32, #tpu.memory_space<vmem>>, vector<16xi32>,
      %swap3A_834 = vector.shape_cast %swap3A_833 : vector<16xi32> to vector<16xi32>
      %swap3A_835 = vector.shape_cast %add3A_822 : vector<16xi32> to vector<16xi32>
      tpu.vector_store %swap3A_831[%swap3A_832], %swap3A_835 {strides = array<i32>} : memref<128xi32, #tpu.memory_space<vmem>>, vector<16xi32>,
      %get3A_836 = arith.constant 1 : i32
      %get3A_837 = arith.constant 0 : i32
      %get3A_838 = arith.constant 0 : i32
      %get3A_839 = arith.constant 0 : i32
      %get3A_840 = tpu.memref_slice %arg5[%get3A_836, %get3A_838, %get3A_839] : memref<2x2x128xi32, #tpu.memory_space<vmem>> -> memref<1x2x128xi32, #tpu.memory_space<vmem>>
      %get3A_841 = tpu.memref_squeeze %get3A_840 : memref<1x2x128xi32, #tpu.memory_space<vmem>> -> memref<2x128xi32, #tpu.memory_space<vmem>>
      %get3A_842 = arith.constant 0 : i32
      %get3A_843 = tpu.memref_slice %get3A_841[%get3A_837, %get3A_842] : memref<2x128xi32, #tpu.memory_space<vmem>> -> memref<1x128xi32, #tpu.memory_space<vmem>>
      %get3A_844 = tpu.memref_squeeze %get3A_843 : memref<1x128xi32, #tpu.memory_space<vmem>> -> memref<128xi32, #tpu.memory_space<vmem>>
      %get3A_845 = arith.constant 112 : index
      %get3A_846 = tpu.vector_load %get3A_844[%get3A_845] {strides = array<i32>} : memref<128xi32, #tpu.memory_space<vmem>>, vector<16xi32>,
      %get3A_847 = vector.shape_cast %get3A_846 : vector<16xi32> to vector<16xi32>
      %add3A_848 = vector.broadcast %mul3A_646 : i32 to vector<16xi32>
      %add3A_849 = arith.addi %get3A_847, %add3A_848 : vector<16xi32>
      %swap3A_850 = arith.constant 1 : i32
      %swap3A_851 = arith.constant 0 : i32
      %swap3A_852 = arith.constant 0 : i32
      %swap3A_853 = arith.constant 0 : i32
      %swap3A_854 = tpu.memref_slice %arg5[%swap3A_850, %swap3A_852, %swap3A_853] : memref<2x2x128xi32, #tpu.memory_space<vmem>> -> memref<1x2x128xi32, #tpu.memory_space<vmem>>
      %swap3A_855 = tpu.memref_squeeze %swap3A_854 : memref<1x2x128xi32, #tpu.memory_space<vmem>> -> memref<2x128xi32, #tpu.memory_space<vmem>>
      %swap3A_856 = arith.constant 0 : i32
      %swap3A_857 = tpu.memref_slice %swap3A_855[%swap3A_851, %swap3A_856] : memref<2x128xi32, #tpu.memory_space<vmem>> -> memref<1x128xi32, #tpu.memory_space<vmem>>
      %swap3A_858 = tpu.memref_squeeze %swap3A_857 : memref<1x128xi32, #tpu.memory_space<vmem>> -> memref<128xi32, #tpu.memory_space<vmem>>
      %swap3A_859 = arith.constant 112 : index
      %swap3A_860 = tpu.vector_load %swap3A_858[%swap3A_859] {strides = array<i32>} : memref<128xi32, #tpu.memory_space<vmem>>, vector<16xi32>,
      %swap3A_861 = vector.shape_cast %swap3A_860 : vector<16xi32> to vector<16xi32>
      %swap3A_862 = vector.shape_cast %add3A_849 : vector<16xi32> to vector<16xi32>
      tpu.vector_store %swap3A_858[%swap3A_859], %swap3A_862 {strides = array<i32>} : memref<128xi32, #tpu.memory_space<vmem>>, vector<16xi32>,
      %get3A_863 = arith.constant 1 : i32
      %get3A_864 = arith.constant 1 : i32
      %get3A_865 = arith.constant 0 : i32
      %get3A_866 = arith.constant 0 : i32
      %get3A_867 = tpu.memref_slice %arg5[%get3A_863, %get3A_865, %get3A_866] : memref<2x2x128xi32, #tpu.memory_space<vmem>> -> memref<1x2x128xi32, #tpu.memory_space<vmem>>
      %get3A_868 = tpu.memref_squeeze %get3A_867 : memref<1x2x128xi32, #tpu.memory_space<vmem>> -> memref<2x128xi32, #tpu.memory_space<vmem>>
      %get3A_869 = arith.constant 0 : i32
      %get3A_870 = tpu.memref_slice %get3A_868[%get3A_864, %get3A_869] : memref<2x128xi32, #tpu.memory_space<vmem>> -> memref<1x128xi32, #tpu.memory_space<vmem>>
      %get3A_871 = tpu.memref_squeeze %get3A_870 : memref<1x128xi32, #tpu.memory_space<vmem>> -> memref<128xi32, #tpu.memory_space<vmem>>
      %get3A_872 = arith.constant 0 : index
      %get3A_873 = tpu.vector_load %get3A_871[%get3A_872] {strides = array<i32>} : memref<128xi32, #tpu.memory_space<vmem>>, vector<16xi32>,
      %get3A_874 = vector.shape_cast %get3A_873 : vector<16xi32> to vector<16xi32>
      %add3A_875 = vector.broadcast %mul3A_646 : i32 to vector<16xi32>
      %add3A_876 = arith.addi %get3A_874, %add3A_875 : vector<16xi32>
      %swap3A_877 = arith.constant 1 : i32
      %swap3A_878 = arith.constant 1 : i32
      %swap3A_879 = arith.constant 0 : i32
      %swap3A_880 = arith.constant 0 : i32
      %swap3A_881 = tpu.memref_slice %arg5[%swap3A_877, %swap3A_879, %swap3A_880] : memref<2x2x128xi32, #tpu.memory_space<vmem>> -> memref<1x2x128xi32, #tpu.memory_space<vmem>>
      %swap3A_882 = tpu.memref_squeeze %swap3A_881 : memref<1x2x128xi32, #tpu.memory_space<vmem>> -> memref<2x128xi32, #tpu.memory_space<vmem>>
      %swap3A_883 = arith.constant 0 : i32
      %swap3A_884 = tpu.memref_slice %swap3A_882[%swap3A_878, %swap3A_883] : memref<2x128xi32, #tpu.memory_space<vmem>> -> memref<1x128xi32, #tpu.memory_space<vmem>>
      %swap3A_885 = tpu.memref_squeeze %swap3A_884 : memref<1x128xi32, #tpu.memory_space<vmem>> -> memref<128xi32, #tpu.memory_space<vmem>>
      %swap3A_886 = arith.constant 0 : index
      %swap3A_887 = tpu.vector_load %swap3A_885[%swap3A_886] {strides = array<i32>} : memref<128xi32, #tpu.memory_space<vmem>>, vector<16xi32>,
      %swap3A_888 = vector.shape_cast %swap3A_887 : vector<16xi32> to vector<16xi32>
      %swap3A_889 = vector.shape_cast %add3A_876 : vector<16xi32> to vector<16xi32>
      tpu.vector_store %swap3A_885[%swap3A_886], %swap3A_889 {strides = array<i32>} : memref<128xi32, #tpu.memory_space<vmem>>, vector<16xi32>,
      %get3A_890 = arith.constant 1 : i32
      %get3A_891 = arith.constant 1 : i32
      %get3A_892 = arith.constant 0 : i32
      %get3A_893 = arith.constant 0 : i32
      %get3A_894 = tpu.memref_slice %arg5[%get3A_890, %get3A_892, %get3A_893] : memref<2x2x128xi32, #tpu.memory_space<vmem>> -> memref<1x2x128xi32, #tpu.memory_space<vmem>>
      %get3A_895 = tpu.memref_squeeze %get3A_894 : memref<1x2x128xi32, #tpu.memory_space<vmem>> -> memref<2x128xi32, #tpu.memory_space<vmem>>
      %get3A_896 = arith.constant 0 : i32
      %get3A_897 = tpu.memref_slice %get3A_895[%get3A_891, %get3A_896] : memref<2x128xi32, #tpu.memory_space<vmem>> -> memref<1x128xi32, #tpu.memory_space<vmem>>
      %get3A_898 = tpu.memref_squeeze %get3A_897 : memref<1x128xi32, #tpu.memory_space<vmem>> -> memref<128xi32, #tpu.memory_space<vmem>>
      %get3A_899 = arith.constant 16 : index
      %get3A_900 = tpu.vector_load %get3A_898[%get3A_899] {strides = array<i32>} : memref<128xi32, #tpu.memory_space<vmem>>, vector<16xi32>,
      %get3A_901 = vector.shape_cast %get3A_900 : vector<16xi32> to vector<16xi32>
      %add3A_902 = vector.broadcast %mul3A_646 : i32 to vector<16xi32>
      %add3A_903 = arith.addi %get3A_901, %add3A_902 : vector<16xi32>
      %swap3A_904 = arith.constant 1 : i32
      %swap3A_905 = arith.constant 1 : i32
      %swap3A_906 = arith.constant 0 : i32
      %swap3A_907 = arith.constant 0 : i32
      %swap3A_908 = tpu.memref_slice %arg5[%swap3A_904, %swap3A_906, %swap3A_907] : memref<2x2x128xi32, #tpu.memory_space<vmem>> -> memref<1x2x128xi32, #tpu.memory_space<vmem>>
      %swap3A_909 = tpu.memref_squeeze %swap3A_908 : memref<1x2x128xi32, #tpu.memory_space<vmem>> -> memref<2x128xi32, #tpu.memory_space<vmem>>
      %swap3A_910 = arith.constant 0 : i32
      %swap3A_911 = tpu.memref_slice %swap3A_909[%swap3A_905, %swap3A_910] : memref<2x128xi32, #tpu.memory_space<vmem>> -> memref<1x128xi32, #tpu.memory_space<vmem>>
      %swap3A_912 = tpu.memref_squeeze %swap3A_911 : memref<1x128xi32, #tpu.memory_space<vmem>> -> memref<128xi32, #tpu.memory_space<vmem>>
      %swap3A_913 = arith.constant 16 : index
      %swap3A_914 = tpu.vector_load %swap3A_912[%swap3A_913] {strides = array<i32>} : memref<128xi32, #tpu.memory_space<vmem>>, vector<16xi32>,
      %swap3A_915 = vector.shape_cast %swap3A_914 : vector<16xi32> to vector<16xi32>
      %swap3A_916 = vector.shape_cast %add3A_903 : vector<16xi32> to vector<16xi32>
      tpu.vector_store %swap3A_912[%swap3A_913], %swap3A_916 {strides = array<i32>} : memref<128xi32, #tpu.memory_space<vmem>>, vector<16xi32>,
      %get3A_917 = arith.constant 1 : i32
      %get3A_918 = arith.constant 1 : i32
      %get3A_919 = arith.constant 0 : i32
      %get3A_920 = arith.constant 0 : i32
      %get3A_921 = tpu.memref_slice %arg5[%get3A_917, %get3A_919, %get3A_920] : memref<2x2x128xi32, #tpu.memory_space<vmem>> -> memref<1x2x128xi32, #tpu.memory_space<vmem>>
      %get3A_922 = tpu.memref_squeeze %get3A_921 : memref<1x2x128xi32, #tpu.memory_space<vmem>> -> memref<2x128xi32, #tpu.memory_space<vmem>>
      %get3A_923 = arith.constant 0 : i32
      %get3A_924 = tpu.memref_slice %get3A_922[%get3A_918, %get3A_923] : memref<2x128xi32, #tpu.memory_space<vmem>> -> memref<1x128xi32, #tpu.memory_space<vmem>>
      %get3A_925 = tpu.memref_squeeze %get3A_924 : memref<1x128xi32, #tpu.memory_space<vmem>> -> memref<128xi32, #tpu.memory_space<vmem>>
      %get3A_926 = arith.constant 32 : index
      %get3A_927 = tpu.vector_load %get3A_925[%get3A_926] {strides = array<i32>} : memref<128xi32, #tpu.memory_space<vmem>>, vector<16xi32>,
      %get3A_928 = vector.shape_cast %get3A_927 : vector<16xi32> to vector<16xi32>
      %add3A_929 = vector.broadcast %mul3A_646 : i32 to vector<16xi32>
      %add3A_930 = arith.addi %get3A_928, %add3A_929 : vector<16xi32>
      %swap3A_931 = arith.constant 1 : i32
      %swap3A_932 = arith.constant 1 : i32
      %swap3A_933 = arith.constant 0 : i32
      %swap3A_934 = arith.constant 0 : i32
      %swap3A_935 = tpu.memref_slice %arg5[%swap3A_931, %swap3A_933, %swap3A_934] : memref<2x2x128xi32, #tpu.memory_space<vmem>> -> memref<1x2x128xi32, #tpu.memory_space<vmem>>
      %swap3A_936 = tpu.memref_squeeze %swap3A_935 : memref<1x2x128xi32, #tpu.memory_space<vmem>> -> memref<2x128xi32, #tpu.memory_space<vmem>>
      %swap3A_937 = arith.constant 0 : i32
      %swap3A_938 = tpu.memref_slice %swap3A_936[%swap3A_932, %swap3A_937] : memref<2x128xi32, #tpu.memory_space<vmem>> -> memref<1x128xi32, #tpu.memory_space<vmem>>
      %swap3A_939 = tpu.memref_squeeze %swap3A_938 : memref<1x128xi32, #tpu.memory_space<vmem>> -> memref<128xi32, #tpu.memory_space<vmem>>
      %swap3A_940 = arith.constant 32 : index
      %swap3A_941 = tpu.vector_load %swap3A_939[%swap3A_940] {strides = array<i32>} : memref<128xi32, #tpu.memory_space<vmem>>, vector<16xi32>,
      %swap3A_942 = vector.shape_cast %swap3A_941 : vector<16xi32> to vector<16xi32>
      %swap3A_943 = vector.shape_cast %add3A_930 : vector<16xi32> to vector<16xi32>
      tpu.vector_store %swap3A_939[%swap3A_940], %swap3A_943 {strides = array<i32>} : memref<128xi32, #tpu.memory_space<vmem>>, vector<16xi32>,
      %get3A_944 = arith.constant 1 : i32
      %get3A_945 = arith.constant 1 : i32
      %get3A_946 = arith.constant 0 : i32
      %get3A_947 = arith.constant 0 : i32
      %get3A_948 = tpu.memref_slice %arg5[%get3A_944, %get3A_946, %get3A_947] : memref<2x2x128xi32, #tpu.memory_space<vmem>> -> memref<1x2x128xi32, #tpu.memory_space<vmem>>
      %get3A_949 = tpu.memref_squeeze %get3A_948 : memref<1x2x128xi32, #tpu.memory_space<vmem>> -> memref<2x128xi32, #tpu.memory_space<vmem>>
      %get3A_950 = arith.constant 0 : i32
      %get3A_951 = tpu.memref_slice %get3A_949[%get3A_945, %get3A_950] : memref<2x128xi32, #tpu.memory_space<vmem>> -> memref<1x128xi32, #tpu.memory_space<vmem>>
      %get3A_952 = tpu.memref_squeeze %get3A_951 : memref<1x128xi32, #tpu.memory_space<vmem>> -> memref<128xi32, #tpu.memory_space<vmem>>
      %get3A_953 = arith.constant 48 : index
      %get3A_954 = tpu.vector_load %get3A_952[%get3A_953] {strides = array<i32>} : memref<128xi32, #tpu.memory_space<vmem>>, vector<16xi32>,
      %get3A_955 = vector.shape_cast %get3A_954 : vector<16xi32> to vector<16xi32>
      %add3A_956 = vector.broadcast %mul3A_646 : i32 to vector<16xi32>
      %add3A_957 = arith.addi %get3A_955, %add3A_956 : vector<16xi32>
      %swap3A_958 = arith.constant 1 : i32
      %swap3A_959 = arith.constant 1 : i32
      %swap3A_960 = arith.constant 0 : i32
      %swap3A_961 = arith.constant 0 : i32
      %swap3A_962 = tpu.memref_slice %arg5[%swap3A_958, %swap3A_960, %swap3A_961] : memref<2x2x128xi32, #tpu.memory_space<vmem>> -> memref<1x2x128xi32, #tpu.memory_space<vmem>>
      %swap3A_963 = tpu.memref_squeeze %swap3A_962 : memref<1x2x128xi32, #tpu.memory_space<vmem>> -> memref<2x128xi32, #tpu.memory_space<vmem>>
      %swap3A_964 = arith.constant 0 : i32
      %swap3A_965 = tpu.memref_slice %swap3A_963[%swap3A_959, %swap3A_964] : memref<2x128xi32, #tpu.memory_space<vmem>> -> memref<1x128xi32, #tpu.memory_space<vmem>>
      %swap3A_966 = tpu.memref_squeeze %swap3A_965 : memref<1x128xi32, #tpu.memory_space<vmem>> -> memref<128xi32, #tpu.memory_space<vmem>>
      %swap3A_967 = arith.constant 48 : index
      %swap3A_968 = tpu.vector_load %swap3A_966[%swap3A_967] {strides = array<i32>} : memref<128xi32, #tpu.memory_space<vmem>>, vector<16xi32>,
      %swap3A_969 = vector.shape_cast %swap3A_968 : vector<16xi32> to vector<16xi32>
      %swap3A_970 = vector.shape_cast %add3A_957 : vector<16xi32> to vector<16xi32>
      tpu.vector_store %swap3A_966[%swap3A_967], %swap3A_970 {strides = array<i32>} : memref<128xi32, #tpu.memory_space<vmem>>, vector<16xi32>,
      %get3A_971 = arith.constant 1 : i32
      %get3A_972 = arith.constant 1 : i32
      %get3A_973 = arith.constant 0 : i32
      %get3A_974 = arith.constant 0 : i32
      %get3A_975 = tpu.memref_slice %arg5[%get3A_971, %get3A_973, %get3A_974] : memref<2x2x128xi32, #tpu.memory_space<vmem>> -> memref<1x2x128xi32, #tpu.memory_space<vmem>>
      %get3A_976 = tpu.memref_squeeze %get3A_975 : memref<1x2x128xi32, #tpu.memory_space<vmem>> -> memref<2x128xi32, #tpu.memory_space<vmem>>
      %get3A_977 = arith.constant 0 : i32
      %get3A_978 = tpu.memref_slice %get3A_976[%get3A_972, %get3A_977] : memref<2x128xi32, #tpu.memory_space<vmem>> -> memref<1x128xi32, #tpu.memory_space<vmem>>
      %get3A_979 = tpu.memref_squeeze %get3A_978 : memref<1x128xi32, #tpu.memory_space<vmem>> -> memref<128xi32, #tpu.memory_space<vmem>>
      %get3A_980 = arith.constant 64 : index
      %get3A_981 = tpu.vector_load %get3A_979[%get3A_980] {strides = array<i32>} : memref<128xi32, #tpu.memory_space<vmem>>, vector<16xi32>,
      %get3A_982 = vector.shape_cast %get3A_981 : vector<16xi32> to vector<16xi32>
      %add3A_983 = vector.broadcast %mul3A_646 : i32 to vector<16xi32>
      %add3A_984 = arith.addi %get3A_982, %add3A_983 : vector<16xi32>
      %swap3A_985 = arith.constant 1 : i32
      %swap3A_986 = arith.constant 1 : i32
      %swap3A_987 = arith.constant 0 : i32
      %swap3A_988 = arith.constant 0 : i32
      %swap3A_989 = tpu.memref_slice %arg5[%swap3A_985, %swap3A_987, %swap3A_988] : memref<2x2x128xi32, #tpu.memory_space<vmem>> -> memref<1x2x128xi32, #tpu.memory_space<vmem>>
      %swap3A_990 = tpu.memref_squeeze %swap3A_989 : memref<1x2x128xi32, #tpu.memory_space<vmem>> -> memref<2x128xi32, #tpu.memory_space<vmem>>
      %swap3A_991 = arith.constant 0 : i32
      %swap3A_992 = tpu.memref_slice %swap3A_990[%swap3A_986, %swap3A_991] : memref<2x128xi32, #tpu.memory_space<vmem>> -> memref<1x128xi32, #tpu.memory_space<vmem>>
      %swap3A_993 = tpu.memref_squeeze %swap3A_992 : memref<1x128xi32, #tpu.memory_space<vmem>> -> memref<128xi32, #tpu.memory_space<vmem>>
      %swap3A_994 = arith.constant 64 : index
      %swap3A_995 = tpu.vector_load %swap3A_993[%swap3A_994] {strides = array<i32>} : memref<128xi32, #tpu.memory_space<vmem>>, vector<16xi32>,
      %swap3A_996 = vector.shape_cast %swap3A_995 : vector<16xi32> to vector<16xi32>
      %swap3A_997 = vector.shape_cast %add3A_984 : vector<16xi32> to vector<16xi32>
      tpu.vector_store %swap3A_993[%swap3A_994], %swap3A_997 {strides = array<i32>} : memref<128xi32, #tpu.memory_space<vmem>>, vector<16xi32>,
      %get3A_998 = arith.constant 1 : i32
      %get3A_999 = arith.constant 1 : i32
      %get3A_1000 = arith.constant 0 : i32
      %get3A_1001 = arith.constant 0 : i32
      %get3A_1002 = tpu.memref_slice %arg5[%get3A_998, %get3A_1000, %get3A_1001] : memref<2x2x128xi32, #tpu.memory_space<vmem>> -> memref<1x2x128xi32, #tpu.memory_space<vmem>>
      %get3A_1003 = tpu.memref_squeeze %get3A_1002 : memref<1x2x128xi32, #tpu.memory_space<vmem>> -> memref<2x128xi32, #tpu.memory_space<vmem>>
      %get3A_1004 = arith.constant 0 : i32
      %get3A_1005 = tpu.memref_slice %get3A_1003[%get3A_999, %get3A_1004] : memref<2x128xi32, #tpu.memory_space<vmem>> -> memref<1x128xi32, #tpu.memory_space<vmem>>
      %get3A_1006 = tpu.memref_squeeze %get3A_1005 : memref<1x128xi32, #tpu.memory_space<vmem>> -> memref<128xi32, #tpu.memory_space<vmem>>
      %get3A_1007 = arith.constant 80 : index
      %get3A_1008 = tpu.vector_load %get3A_1006[%get3A_1007] {strides = array<i32>} : memref<128xi32, #tpu.memory_space<vmem>>, vector<16xi32>,
      %get3A_1009 = vector.shape_cast %get3A_1008 : vector<16xi32> to vector<16xi32>
      %add3A_1010 = vector.broadcast %mul3A_646 : i32 to vector<16xi32>
      %add3A_1011 = arith.addi %get3A_1009, %add3A_1010 : vector<16xi32>
      %swap3A_1012 = arith.constant 1 : i32
      %swap3A_1013 = arith.constant 1 : i32
      %swap3A_1014 = arith.constant 0 : i32
      %swap3A_1015 = arith.constant 0 : i32
      %swap3A_1016 = tpu.memref_slice %arg5[%swap3A_1012, %swap3A_1014, %swap3A_1015] : memref<2x2x128xi32, #tpu.memory_space<vmem>> -> memref<1x2x128xi32, #tpu.memory_space<vmem>>
      %swap3A_1017 = tpu.memref_squeeze %swap3A_1016 : memref<1x2x128xi32, #tpu.memory_space<vmem>> -> memref<2x128xi32, #tpu.memory_space<vmem>>
      %swap3A_1018 = arith.constant 0 : i32
      %swap3A_1019 = tpu.memref_slice %swap3A_1017[%swap3A_1013, %swap3A_1018] : memref<2x128xi32, #tpu.memory_space<vmem>> -> memref<1x128xi32, #tpu.memory_space<vmem>>
      %swap3A_1020 = tpu.memref_squeeze %swap3A_1019 : memref<1x128xi32, #tpu.memory_space<vmem>> -> memref<128xi32, #tpu.memory_space<vmem>>
      %swap3A_1021 = arith.constant 80 : index
      %swap3A_1022 = tpu.vector_load %swap3A_1020[%swap3A_1021] {strides = array<i32>} : memref<128xi32, #tpu.memory_space<vmem>>, vector<16xi32>,
      %swap3A_1023 = vector.shape_cast %swap3A_1022 : vector<16xi32> to vector<16xi32>
      %swap3A_1024 = vector.shape_cast %add3A_1011 : vector<16xi32> to vector<16xi32>
      tpu.vector_store %swap3A_1020[%swap3A_1021], %swap3A_1024 {strides = array<i32>} : memref<128xi32, #tpu.memory_space<vmem>>, vector<16xi32>,
      %get3A_1025 = arith.constant 1 : i32
      %get3A_1026 = arith.constant 1 : i32
      %get3A_1027 = arith.constant 0 : i32
      %get3A_1028 = arith.constant 0 : i32
      %get3A_1029 = tpu.memref_slice %arg5[%get3A_1025, %get3A_1027, %get3A_1028] : memref<2x2x128xi32, #tpu.memory_space<vmem>> -> memref<1x2x128xi32, #tpu.memory_space<vmem>>
      %get3A_1030 = tpu.memref_squeeze %get3A_1029 : memref<1x2x128xi32, #tpu.memory_space<vmem>> -> memref<2x128xi32, #tpu.memory_space<vmem>>
      %get3A_1031 = arith.constant 0 : i32
      %get3A_1032 = tpu.memref_slice %get3A_1030[%get3A_1026, %get3A_1031] : memref<2x128xi32, #tpu.memory_space<vmem>> -> memref<1x128xi32, #tpu.memory_space<vmem>>
      %get3A_1033 = tpu.memref_squeeze %get3A_1032 : memref<1x128xi32, #tpu.memory_space<vmem>> -> memref<128xi32, #tpu.memory_space<vmem>>
      %get3A_1034 = arith.constant 96 : index
      %get3A_1035 = tpu.vector_load %get3A_1033[%get3A_1034] {strides = array<i32>} : memref<128xi32, #tpu.memory_space<vmem>>, vector<16xi32>,
      %get3A_1036 = vector.shape_cast %get3A_1035 : vector<16xi32> to vector<16xi32>
      %add3A_1037 = vector.broadcast %mul3A_646 : i32 to vector<16xi32>
      %add3A_1038 = arith.addi %get3A_1036, %add3A_1037 : vector<16xi32>
      %swap3A_1039 = arith.constant 1 : i32
      %swap3A_1040 = arith.constant 1 : i32
      %swap3A_1041 = arith.constant 0 : i32
      %swap3A_1042 = arith.constant 0 : i32
      %swap3A_1043 = tpu.memref_slice %arg5[%swap3A_1039, %swap3A_1041, %swap3A_1042] : memref<2x2x128xi32, #tpu.memory_space<vmem>> -> memref<1x2x128xi32, #tpu.memory_space<vmem>>
      %swap3A_1044 = tpu.memref_squeeze %swap3A_1043 : memref<1x2x128xi32, #tpu.memory_space<vmem>> -> memref<2x128xi32, #tpu.memory_space<vmem>>
      %swap3A_1045 = arith.constant 0 : i32
      %swap3A_1046 = tpu.memref_slice %swap3A_1044[%swap3A_1040, %swap3A_1045] : memref<2x128xi32, #tpu.memory_space<vmem>> -> memref<1x128xi32, #tpu.memory_space<vmem>>
      %swap3A_1047 = tpu.memref_squeeze %swap3A_1046 : memref<1x128xi32, #tpu.memory_space<vmem>> -> memref<128xi32, #tpu.memory_space<vmem>>
      %swap3A_1048 = arith.constant 96 : index
      %swap3A_1049 = tpu.vector_load %swap3A_1047[%swap3A_1048] {strides = array<i32>} : memref<128xi32, #tpu.memory_space<vmem>>, vector<16xi32>,
      %swap3A_1050 = vector.shape_cast %swap3A_1049 : vector<16xi32> to vector<16xi32>
      %swap3A_1051 = vector.shape_cast %add3A_1038 : vector<16xi32> to vector<16xi32>
      tpu.vector_store %swap3A_1047[%swap3A_1048], %swap3A_1051 {strides = array<i32>} : memref<128xi32, #tpu.memory_space<vmem>>, vector<16xi32>,
      %get3A_1052 = arith.constant 1 : i32
      %get3A_1053 = arith.constant 1 : i32
      %get3A_1054 = arith.constant 0 : i32
      %get3A_1055 = arith.constant 0 : i32
      %get3A_1056 = tpu.memref_slice %arg5[%get3A_1052, %get3A_1054, %get3A_1055] : memref<2x2x128xi32, #tpu.memory_space<vmem>> -> memref<1x2x128xi32, #tpu.memory_space<vmem>>
      %get3A_1057 = tpu.memref_squeeze %get3A_1056 : memref<1x2x128xi32, #tpu.memory_space<vmem>> -> memref<2x128xi32, #tpu.memory_space<vmem>>
      %get3A_1058 = arith.constant 0 : i32
      %get3A_1059 = tpu.memref_slice %get3A_1057[%get3A_1053, %get3A_1058] : memref<2x128xi32, #tpu.memory_space<vmem>> -> memref<1x128xi32, #tpu.memory_space<vmem>>
      %get3A_1060 = tpu.memref_squeeze %get3A_1059 : memref<1x128xi32, #tpu.memory_space<vmem>> -> memref<128xi32, #tpu.memory_space<vmem>>
      %get3A_1061 = arith.constant 112 : index
      %get3A_1062 = tpu.vector_load %get3A_1060[%get3A_1061] {strides = array<i32>} : memref<128xi32, #tpu.memory_space<vmem>>, vector<16xi32>,
      %get3A_1063 = vector.shape_cast %get3A_1062 : vector<16xi32> to vector<16xi32>
      %add3A_1064 = vector.broadcast %mul3A_646 : i32 to vector<16xi32>
      %add3A_1065 = arith.addi %get3A_1063, %add3A_1064 : vector<16xi32>
      %swap3A_1066 = arith.constant 1 : i32
      %swap3A_1067 = arith.constant 1 : i32
      %swap3A_1068 = arith.constant 0 : i32
      %swap3A_1069 = arith.constant 0 : i32
      %swap3A_1070 = tpu.memref_slice %arg5[%swap3A_1066, %swap3A_1068, %swap3A_1069] : memref<2x2x128xi32, #tpu.memory_space<vmem>> -> memref<1x2x128xi32, #tpu.memory_space<vmem>>
      %swap3A_1071 = tpu.memref_squeeze %swap3A_1070 : memref<1x2x128xi32, #tpu.memory_space<vmem>> -> memref<2x128xi32, #tpu.memory_space<vmem>>
      %swap3A_1072 = arith.constant 0 : i32
      %swap3A_1073 = tpu.memref_slice %swap3A_1071[%swap3A_1067, %swap3A_1072] : memref<2x128xi32, #tpu.memory_space<vmem>> -> memref<1x128xi32, #tpu.memory_space<vmem>>
      %swap3A_1074 = tpu.memref_squeeze %swap3A_1073 : memref<1x128xi32, #tpu.memory_space<vmem>> -> memref<128xi32, #tpu.memory_space<vmem>>
      %swap3A_1075 = arith.constant 112 : index
      %swap3A_1076 = tpu.vector_load %swap3A_1074[%swap3A_1075] {strides = array<i32>} : memref<128xi32, #tpu.memory_space<vmem>>, vector<16xi32>,
      %swap3A_1077 = vector.shape_cast %swap3A_1076 : vector<16xi32> to vector<16xi32>
      %swap3A_1078 = vector.shape_cast %add3A_1065 : vector<16xi32> to vector<16xi32>
      tpu.vector_store %swap3A_1074[%swap3A_1075], %swap3A_1078 {strides = array<i32>} : memref<128xi32, #tpu.memory_space<vmem>>, vector<16xi32>,
      %ge3A_1079 = arith.constant 1 : i32
      %ge3A_1080 = arith.cmpi sge, %scan3A_70, %ge3A_1079 : i32
      %convert_element_type3A_1081 = arith.extui %ge3A_1080 : i1 to i32
      %cond3A_1082 = arith.constant 0 : i32
      %cond3A_1083 = arith.cmpi ne, %convert_element_type3A_1081, %cond3A_1082 : i32
      scf.if %cond3A_1083 {
        %sub3A = arith.constant 2 : i32
        %sub3A_1187 = arith.subi %add3A_628, %sub3A : i32
        %mul3A_1188 = arith.constant 256 : i32
        %mul3A_1189 = arith.muli %sub3A_1187, %mul3A_1188 : i32
        %add3A_1190 = arith.addi %mul3A_2, %mul3A_1189 : i32
        %dma_wait3A_1191 = arith.constant 1 : i32
        %dma_wait3A_1192 = arith.constant 0 : i32
        %dma_wait3A_1193 = arith.constant 0 : i32
        %dma_wait3A_1194 = tpu.memref_slice %arg6[%dma_wait3A_1191, %dma_wait3A_1192, %dma_wait3A_1193] : memref<2x256x128xf32, #tpu.memory_space<vmem>> -> memref<1x256x128xf32, #tpu.memory_space<vmem>>
        %dma_wait3A_1195 = tpu.memref_squeeze %dma_wait3A_1194 : memref<1x256x128xf32, #tpu.memory_space<vmem>> -> memref<256x128xf32, #tpu.memory_space<vmem>>
        %dma_wait3A_1196 = arith.constant 0 : i32
        %dma_wait3A_1197 = tpu.memref_slice %arg4[%add3A_1190, %dma_wait3A_1196] : memref<3276800x128xf32, #tpu.memory_space<hbm>> -> memref<256x128xf32, #tpu.memory_space<hbm>>
        %dma_wait3A_1198 = arith.constant 0 : i32
        %dma_wait3A_1199 = tpu.memref_slice %arg4[%add3A_1190, %dma_wait3A_1198] : memref<3276800x128xf32, #tpu.memory_space<hbm>> -> memref<256x128xf32, #tpu.memory_space<hbm>>
        %dma_wait3A_1200 = arith.constant 0 : i32
        %dma_wait3A_1201 = arith.constant 0 : i32
        %dma_wait3A_1202 = tpu.memref_slice %arg6[%dma_wait3A_1191, %dma_wait3A_1200, %dma_wait3A_1201] : memref<2x256x128xf32, #tpu.memory_space<vmem>> -> memref<1x256x128xf32, #tpu.memory_space<vmem>>
        %dma_wait3A_1203 = tpu.memref_squeeze %dma_wait3A_1202 : memref<1x256x128xf32, #tpu.memory_space<vmem>> -> memref<256x128xf32, #tpu.memory_space<vmem>>
        tpu.wait_dma2 semaphore(%arg13 : memref<!tpu.dma_semaphore, #tpu.memory_space<semaphore_mem>>) src(%dma_wait3A_1203 : memref<256x128xf32, #tpu.memory_space<vmem>>) dst(%dma_wait3A_1199 : memref<256x128xf32, #tpu.memory_space<hbm>>)
      } else {
      }
      %dma_start3A_1084 = arith.constant 1 : i32
      %dma_start3A_1085 = arith.constant 0 : i32
      %dma_start3A_1086 = arith.constant 1 : i32
      %dma_start3A_1087 = arith.constant 0 : i32
      %dma_start3A_1088 = arith.constant 0 : i32
      %dma_start3A_1089 = tpu.memref_slice %arg6[%dma_start3A_1086, %dma_start3A_1087, %dma_start3A_1088] : memref<2x256x128xf32, #tpu.memory_space<vmem>> -> memref<1x256x128xf32, #tpu.memory_space<vmem>>
      %dma_start3A_1090 = tpu.memref_squeeze %dma_start3A_1089 : memref<1x256x128xf32, #tpu.memory_space<vmem>> -> memref<256x128xf32, #tpu.memory_space<vmem>>
      %dma_start3A_1091 = arith.constant 0 : i32
      %dma_start3A_1092 = arith.constant 0 : i32
      %dma_start3A_1093 = tpu.memref_slice %dma_start3A_1090[%dma_start3A_1091, %dma_start3A_1092] : memref<256x128xf32, #tpu.memory_space<vmem>> -> memref<128x128xf32, #tpu.memory_space<vmem>>
      %dma_start3A_1094 = arith.constant 0 : i32
      %dma_start3A_1095 = arith.constant 0 : i32
      %dma_start3A_1096 = tpu.memref_slice %arg5[%dma_start3A_1084, %dma_start3A_1094, %dma_start3A_1095] : memref<2x2x128xi32, #tpu.memory_space<vmem>> -> memref<1x2x128xi32, #tpu.memory_space<vmem>>
      %dma_start3A_1097 = tpu.memref_squeeze %dma_start3A_1096 : memref<1x2x128xi32, #tpu.memory_space<vmem>> -> memref<2x128xi32, #tpu.memory_space<vmem>>
      %dma_start3A_1098 = arith.constant 0 : i32
      %dma_start3A_1099 = tpu.memref_slice %dma_start3A_1097[%dma_start3A_1085, %dma_start3A_1098] : memref<2x128xi32, #tpu.memory_space<vmem>> -> memref<1x128xi32, #tpu.memory_space<vmem>>
      %dma_start3A_1100 = tpu.memref_squeeze %dma_start3A_1099 : memref<1x128xi32, #tpu.memory_space<vmem>> -> memref<128xi32, #tpu.memory_space<vmem>>
      %dma_start3A_1101 = arith.constant 0 : i32
      %dma_start3A_1102 = arith.constant 0 : i32
      %dma_start3A_1103 = tpu.memref_slice %arg7[%dma_start3A_1101, %dma_start3A_1102] : memref<2048x128xf32, #tpu.memory_space<vmem_shared>> -> memref<2048x128xf32, #tpu.memory_space<vmem_shared>>
      tpu.enqueue_indirect_dma source(%dma_start3A_1103 : memref<2048x128xf32, #tpu.memory_space<vmem_shared>>) target(%dma_start3A_1093 : memref<128x128xf32, #tpu.memory_space<vmem>>) offsets(%dma_start3A_1100 : memref<128xi32, #tpu.memory_space<vmem>>) semaphore(%arg11 : memref<!tpu.dma_semaphore, #tpu.memory_space<semaphore_mem>>)
      %dma_start3A_1104 = arith.constant 1 : i32
      %dma_start3A_1105 = arith.constant 1 : i32
      %dma_start3A_1106 = arith.constant 1 : i32
      %dma_start3A_1107 = arith.constant 0 : i32
      %dma_start3A_1108 = arith.constant 0 : i32
      %dma_start3A_1109 = tpu.memref_slice %arg6[%dma_start3A_1106, %dma_start3A_1107, %dma_start3A_1108] : memref<2x256x128xf32, #tpu.memory_space<vmem>> -> memref<1x256x128xf32, #tpu.memory_space<vmem>>
      %dma_start3A_1110 = tpu.memref_squeeze %dma_start3A_1109 : memref<1x256x128xf32, #tpu.memory_space<vmem>> -> memref<256x128xf32, #tpu.memory_space<vmem>>
      %dma_start3A_1111 = arith.constant 128 : i32
      %dma_start3A_1112 = arith.constant 0 : i32
      %dma_start3A_1113 = tpu.memref_slice %dma_start3A_1110[%dma_start3A_1111, %dma_start3A_1112] : memref<256x128xf32, #tpu.memory_space<vmem>> -> memref<128x128xf32, #tpu.memory_space<vmem>>
      %dma_start3A_1114 = arith.constant 0 : i32
      %dma_start3A_1115 = arith.constant 0 : i32
      %dma_start3A_1116 = tpu.memref_slice %arg5[%dma_start3A_1104, %dma_start3A_1114, %dma_start3A_1115] : memref<2x2x128xi32, #tpu.memory_space<vmem>> -> memref<1x2x128xi32, #tpu.memory_space<vmem>>
      %dma_start3A_1117 = tpu.memref_squeeze %dma_start3A_1116 : memref<1x2x128xi32, #tpu.memory_space<vmem>> -> memref<2x128xi32, #tpu.memory_space<vmem>>
      %dma_start3A_1118 = arith.constant 0 : i32
      %dma_start3A_1119 = tpu.memref_slice %dma_start3A_1117[%dma_start3A_1105, %dma_start3A_1118] : memref<2x128xi32, #tpu.memory_space<vmem>> -> memref<1x128xi32, #tpu.memory_space<vmem>>
      %dma_start3A_1120 = tpu.memref_squeeze %dma_start3A_1119 : memref<1x128xi32, #tpu.memory_space<vmem>> -> memref<128xi32, #tpu.memory_space<vmem>>
      %dma_start3A_1121 = arith.constant 0 : i32
      %dma_start3A_1122 = arith.constant 0 : i32
      %dma_start3A_1123 = tpu.memref_slice %arg7[%dma_start3A_1121, %dma_start3A_1122] : memref<2048x128xf32, #tpu.memory_space<vmem_shared>> -> memref<2048x128xf32, #tpu.memory_space<vmem_shared>>
      tpu.enqueue_indirect_dma source(%dma_start3A_1123 : memref<2048x128xf32, #tpu.memory_space<vmem_shared>>) target(%dma_start3A_1113 : memref<128x128xf32, #tpu.memory_space<vmem>>) offsets(%dma_start3A_1120 : memref<128xi32, #tpu.memory_space<vmem>>) semaphore(%arg11 : memref<!tpu.dma_semaphore, #tpu.memory_space<semaphore_mem>>)
      %dma_wait3A_1124 = arith.constant 1 : i32
      %dma_wait3A_1125 = arith.constant 0 : i32
      %dma_wait3A_1126 = arith.constant 1 : i32
      %dma_wait3A_1127 = arith.constant 0 : i32
      %dma_wait3A_1128 = arith.constant 0 : i32
      %dma_wait3A_1129 = tpu.memref_slice %arg6[%dma_wait3A_1126, %dma_wait3A_1127, %dma_wait3A_1128] : memref<2x256x128xf32, #tpu.memory_space<vmem>> -> memref<1x256x128xf32, #tpu.memory_space<vmem>>
      %dma_wait3A_1130 = tpu.memref_squeeze %dma_wait3A_1129 : memref<1x256x128xf32, #tpu.memory_space<vmem>> -> memref<256x128xf32, #tpu.memory_space<vmem>>
      %dma_wait3A_1131 = arith.constant 0 : i32
      %dma_wait3A_1132 = arith.constant 0 : i32
      %dma_wait3A_1133 = tpu.memref_slice %dma_wait3A_1130[%dma_wait3A_1131, %dma_wait3A_1132] : memref<256x128xf32, #tpu.memory_space<vmem>> -> memref<128x128xf32, #tpu.memory_space<vmem>>
      %dma_wait3A_1134 = arith.constant 0 : i32
      %dma_wait3A_1135 = arith.constant 0 : i32
      %dma_wait3A_1136 = tpu.memref_slice %arg5[%dma_wait3A_1124, %dma_wait3A_1134, %dma_wait3A_1135] : memref<2x2x128xi32, #tpu.memory_space<vmem>> -> memref<1x2x128xi32, #tpu.memory_space<vmem>>
      %dma_wait3A_1137 = tpu.memref_squeeze %dma_wait3A_1136 : memref<1x2x128xi32, #tpu.memory_space<vmem>> -> memref<2x128xi32, #tpu.memory_space<vmem>>
      %dma_wait3A_1138 = arith.constant 0 : i32
      %dma_wait3A_1139 = tpu.memref_slice %dma_wait3A_1137[%dma_wait3A_1125, %dma_wait3A_1138] : memref<2x128xi32, #tpu.memory_space<vmem>> -> memref<1x128xi32, #tpu.memory_space<vmem>>
      %dma_wait3A_1140 = tpu.memref_squeeze %dma_wait3A_1139 : memref<1x128xi32, #tpu.memory_space<vmem>> -> memref<128xi32, #tpu.memory_space<vmem>>
      %dma_wait3A_1141 = arith.constant 0 : i32
      %dma_wait3A_1142 = arith.constant 0 : i32
      %dma_wait3A_1143 = tpu.memref_slice %arg7[%dma_wait3A_1141, %dma_wait3A_1142] : memref<2048x128xf32, #tpu.memory_space<vmem_shared>> -> memref<2048x128xf32, #tpu.memory_space<vmem_shared>>
      tpu.wait_indirect_dma semaphore(%arg11 : memref<!tpu.dma_semaphore, #tpu.memory_space<semaphore_mem>>) src(%dma_wait3A_1143 : memref<2048x128xf32, #tpu.memory_space<vmem_shared>>) dst(%dma_wait3A_1133 : memref<128x128xf32, #tpu.memory_space<vmem>>)
      %dma_wait3A_1144 = arith.constant 1 : i32
      %dma_wait3A_1145 = arith.constant 1 : i32
      %dma_wait3A_1146 = arith.constant 1 : i32
      %dma_wait3A_1147 = arith.constant 0 : i32
      %dma_wait3A_1148 = arith.constant 0 : i32
      %dma_wait3A_1149 = tpu.memref_slice %arg6[%dma_wait3A_1146, %dma_wait3A_1147, %dma_wait3A_1148] : memref<2x256x128xf32, #tpu.memory_space<vmem>> -> memref<1x256x128xf32, #tpu.memory_space<vmem>>
      %dma_wait3A_1150 = tpu.memref_squeeze %dma_wait3A_1149 : memref<1x256x128xf32, #tpu.memory_space<vmem>> -> memref<256x128xf32, #tpu.memory_space<vmem>>
      %dma_wait3A_1151 = arith.constant 128 : i32
      %dma_wait3A_1152 = arith.constant 0 : i32
      %dma_wait3A_1153 = tpu.memref_slice %dma_wait3A_1150[%dma_wait3A_1151, %dma_wait3A_1152] : memref<256x128xf32, #tpu.memory_space<vmem>> -> memref<128x128xf32, #tpu.memory_space<vmem>>
      %dma_wait3A_1154 = arith.constant 0 : i32
      %dma_wait3A_1155 = arith.constant 0 : i32
      %dma_wait3A_1156 = tpu.memref_slice %arg5[%dma_wait3A_1144, %dma_wait3A_1154, %dma_wait3A_1155] : memref<2x2x128xi32, #tpu.memory_space<vmem>> -> memref<1x2x128xi32, #tpu.memory_space<vmem>>
      %dma_wait3A_1157 = tpu.memref_squeeze %dma_wait3A_1156 : memref<1x2x128xi32, #tpu.memory_space<vmem>> -> memref<2x128xi32, #tpu.memory_space<vmem>>
      %dma_wait3A_1158 = arith.constant 0 : i32
      %dma_wait3A_1159 = tpu.memref_slice %dma_wait3A_1157[%dma_wait3A_1145, %dma_wait3A_1158] : memref<2x128xi32, #tpu.memory_space<vmem>> -> memref<1x128xi32, #tpu.memory_space<vmem>>
      %dma_wait3A_1160 = tpu.memref_squeeze %dma_wait3A_1159 : memref<1x128xi32, #tpu.memory_space<vmem>> -> memref<128xi32, #tpu.memory_space<vmem>>
      %dma_wait3A_1161 = arith.constant 0 : i32
      %dma_wait3A_1162 = arith.constant 0 : i32
      %dma_wait3A_1163 = tpu.memref_slice %arg7[%dma_wait3A_1161, %dma_wait3A_1162] : memref<2048x128xf32, #tpu.memory_space<vmem_shared>> -> memref<2048x128xf32, #tpu.memory_space<vmem_shared>>
      tpu.wait_indirect_dma semaphore(%arg11 : memref<!tpu.dma_semaphore, #tpu.memory_space<semaphore_mem>>) src(%dma_wait3A_1163 : memref<2048x128xf32, #tpu.memory_space<vmem_shared>>) dst(%dma_wait3A_1153 : memref<128x128xf32, #tpu.memory_space<vmem>>)
      %add3A_1164 = arith.constant 2 : i32
      %add3A_1165 = arith.addi %add3A_628, %add3A_1164 : i32
      %lt3A_1166 = arith.constant 400 : i32
      %lt3A_1167 = arith.cmpi slt, %add3A_1165, %lt3A_1166 : i32
      %convert_element_type3A_1168 = arith.extui %lt3A_1167 : i1 to i32
      %cond3A_1169 = arith.constant 0 : i32
      %cond3A_1170 = arith.cmpi ne, %convert_element_type3A_1168, %cond3A_1169 : i32
      scf.if %cond3A_1170 {
        %add3A_1187 = arith.constant 2 : i32
        %add3A_1188 = arith.addi %add3A_628, %add3A_1187 : i32
        %mul3A_1189 = arith.constant 2 : i32
        %mul3A_1190 = arith.muli %add3A_1188, %mul3A_1189 : i32
        %add3A_1191 = arith.addi %mul3A_4, %mul3A_1190 : i32
        %dma_start3A_1192 = arith.constant 1 : i32
        %dma_start3A_1193 = arith.constant 0 : i32
        %dma_start3A_1194 = arith.constant 0 : i32
        %dma_start3A_1195 = tpu.memref_slice %arg5[%dma_start3A_1192, %dma_start3A_1193, %dma_start3A_1194] : memref<2x2x128xi32, #tpu.memory_space<vmem>> -> memref<1x2x128xi32, #tpu.memory_space<vmem>>
        %dma_start3A_1196 = tpu.memref_squeeze %dma_start3A_1195 : memref<1x2x128xi32, #tpu.memory_space<vmem>> -> memref<2x128xi32, #tpu.memory_space<vmem>>
        %dma_start3A_1197 = arith.constant 0 : i32
        %dma_start3A_1198 = tpu.memref_slice %arg3[%add3A_1191, %dma_start3A_1197] : memref<25600x128xi32, #tpu.memory_space<hbm>> -> memref<2x128xi32, #tpu.memory_space<hbm>>
        %dma_start3A_1199 = arith.constant 0 : i32
        %dma_start3A_1200 = arith.constant 0 : i32
        %dma_start3A_1201 = tpu.memref_slice %arg5[%dma_start3A_1192, %dma_start3A_1199, %dma_start3A_1200] : memref<2x2x128xi32, #tpu.memory_space<vmem>> -> memref<1x2x128xi32, #tpu.memory_space<vmem>>
        %dma_start3A_1202 = tpu.memref_squeeze %dma_start3A_1201 : memref<1x2x128xi32, #tpu.memory_space<vmem>> -> memref<2x128xi32, #tpu.memory_space<vmem>>
        %dma_start3A_1203 = arith.constant 0 : i32
        %dma_start3A_1204 = tpu.memref_slice %arg3[%add3A_1191, %dma_start3A_1203] : memref<25600x128xi32, #tpu.memory_space<hbm>> -> memref<2x128xi32, #tpu.memory_space<hbm>>
        tpu.enqueue_dma source(%dma_start3A_1204 : memref<2x128xi32, #tpu.memory_space<hbm>>) target(%dma_start3A_1202 : memref<2x128xi32, #tpu.memory_space<vmem>>) target_semaphore(%arg9 : memref<!tpu.dma_semaphore, #tpu.memory_space<semaphore_mem>>)
      } else {
      }
      %mul3A_1171 = arith.constant 256 : i32
      %mul3A_1172 = arith.muli %add3A_628, %mul3A_1171 : i32
      %add3A_1173 = arith.addi %mul3A_2, %mul3A_1172 : i32
      %dma_start3A_1174 = arith.constant 1 : i32
      %dma_start3A_1175 = arith.constant 0 : i32
      %dma_start3A_1176 = arith.constant 0 : i32
      %dma_start3A_1177 = tpu.memref_slice %arg6[%dma_start3A_1174, %dma_start3A_1175, %dma_start3A_1176] : memref<2x256x128xf32, #tpu.memory_space<vmem>> -> memref<1x256x128xf32, #tpu.memory_space<vmem>>
      %dma_start3A_1178 = tpu.memref_squeeze %dma_start3A_1177 : memref<1x256x128xf32, #tpu.memory_space<vmem>> -> memref<256x128xf32, #tpu.memory_space<vmem>>
      %dma_start3A_1179 = arith.constant 0 : i32
      %dma_start3A_1180 = tpu.memref_slice %arg4[%add3A_1173, %dma_start3A_1179] : memref<3276800x128xf32, #tpu.memory_space<hbm>> -> memref<256x128xf32, #tpu.memory_space<hbm>>
      %dma_start3A_1181 = arith.constant 0 : i32
      %dma_start3A_1182 = tpu.memref_slice %arg4[%add3A_1173, %dma_start3A_1181] : memref<3276800x128xf32, #tpu.memory_space<hbm>> -> memref<256x128xf32, #tpu.memory_space<hbm>>
      %dma_start3A_1183 = arith.constant 0 : i32
      %dma_start3A_1184 = arith.constant 0 : i32
      %dma_start3A_1185 = tpu.memref_slice %arg6[%dma_start3A_1174, %dma_start3A_1183, %dma_start3A_1184] : memref<2x256x128xf32, #tpu.memory_space<vmem>> -> memref<1x256x128xf32, #tpu.memory_space<vmem>>
      %dma_start3A_1186 = tpu.memref_squeeze %dma_start3A_1185 : memref<1x256x128xf32, #tpu.memory_space<vmem>> -> memref<256x128xf32, #tpu.memory_space<vmem>>
      tpu.enqueue_dma source(%dma_start3A_1186 : memref<256x128xf32, #tpu.memory_space<vmem>>) target(%dma_start3A_1182 : memref<256x128xf32, #tpu.memory_space<hbm>>) target_semaphore(%arg13 : memref<!tpu.dma_semaphore, #tpu.memory_space<semaphore_mem>>)
    }
    %scan3A_40 = arith.constant 200 : i32
    %add3A_41 = arith.constant 101888 : i32
    %add3A_42 = arith.addi %mul3A_2, %add3A_41 : i32
    %dma_wait3A = arith.constant 0 : i32
    %dma_wait3A_43 = arith.constant 0 : i32
    %dma_wait3A_44 = arith.constant 0 : i32
    %dma_wait3A_45 = tpu.memref_slice %arg6[%dma_wait3A, %dma_wait3A_43, %dma_wait3A_44] : memref<2x256x128xf32, #tpu.memory_space<vmem>> -> memref<1x256x128xf32, #tpu.memory_space<vmem>>
    %dma_wait3A_46 = tpu.memref_squeeze %dma_wait3A_45 : memref<1x256x128xf32, #tpu.memory_space<vmem>> -> memref<256x128xf32, #tpu.memory_space<vmem>>
    %dma_wait3A_47 = arith.constant 0 : i32
    %dma_wait3A_48 = tpu.memref_slice %arg4[%add3A_42, %dma_wait3A_47] : memref<3276800x128xf32, #tpu.memory_space<hbm>> -> memref<256x128xf32, #tpu.memory_space<hbm>>
    %dma_wait3A_49 = arith.constant 0 : i32
    %dma_wait3A_50 = tpu.memref_slice %arg4[%add3A_42, %dma_wait3A_49] : memref<3276800x128xf32, #tpu.memory_space<hbm>> -> memref<256x128xf32, #tpu.memory_space<hbm>>
    %dma_wait3A_51 = arith.constant 0 : i32
    %dma_wait3A_52 = arith.constant 0 : i32
    %dma_wait3A_53 = tpu.memref_slice %arg6[%dma_wait3A, %dma_wait3A_51, %dma_wait3A_52] : memref<2x256x128xf32, #tpu.memory_space<vmem>> -> memref<1x256x128xf32, #tpu.memory_space<vmem>>
    %dma_wait3A_54 = tpu.memref_squeeze %dma_wait3A_53 : memref<1x256x128xf32, #tpu.memory_space<vmem>> -> memref<256x128xf32, #tpu.memory_space<vmem>>
    tpu.wait_dma2 semaphore(%arg12 : memref<!tpu.dma_semaphore, #tpu.memory_space<semaphore_mem>>) src(%dma_wait3A_54 : memref<256x128xf32, #tpu.memory_space<vmem>>) dst(%dma_wait3A_50 : memref<256x128xf32, #tpu.memory_space<hbm>>)
    %add3A_55 = arith.constant 102144 : i32
    %add3A_56 = arith.addi %mul3A_2, %add3A_55 : i32
    %dma_wait3A_57 = arith.constant 1 : i32
    %dma_wait3A_58 = arith.constant 0 : i32
    %dma_wait3A_59 = arith.constant 0 : i32
    %dma_wait3A_60 = tpu.memref_slice %arg6[%dma_wait3A_57, %dma_wait3A_58, %dma_wait3A_59] : memref<2x256x128xf32, #tpu.memory_space<vmem>> -> memref<1x256x128xf32, #tpu.memory_space<vmem>>
    %dma_wait3A_61 = tpu.memref_squeeze %dma_wait3A_60 : memref<1x256x128xf32, #tpu.memory_space<vmem>> -> memref<256x128xf32, #tpu.memory_space<vmem>>
    %dma_wait3A_62 = arith.constant 0 : i32
    %dma_wait3A_63 = tpu.memref_slice %arg4[%add3A_56, %dma_wait3A_62] : memref<3276800x128xf32, #tpu.memory_space<hbm>> -> memref<256x128xf32, #tpu.memory_space<hbm>>
    %dma_wait3A_64 = arith.constant 0 : i32
    %dma_wait3A_65 = tpu.memref_slice %arg4[%add3A_56, %dma_wait3A_64] : memref<3276800x128xf32, #tpu.memory_space<hbm>> -> memref<256x128xf32, #tpu.memory_space<hbm>>
    %dma_wait3A_66 = arith.constant 0 : i32
    %dma_wait3A_67 = arith.constant 0 : i32
    %dma_wait3A_68 = tpu.memref_slice %arg6[%dma_wait3A_57, %dma_wait3A_66, %dma_wait3A_67] : memref<2x256x128xf32, #tpu.memory_space<vmem>> -> memref<1x256x128xf32, #tpu.memory_space<vmem>>
    %dma_wait3A_69 = tpu.memref_squeeze %dma_wait3A_68 : memref<1x256x128xf32, #tpu.memory_space<vmem>> -> memref<256x128xf32, #tpu.memory_space<vmem>>
    tpu.wait_dma2 semaphore(%arg13 : memref<!tpu.dma_semaphore, #tpu.memory_space<semaphore_mem>>) src(%dma_wait3A_69 : memref<256x128xf32, #tpu.memory_space<vmem>>) dst(%dma_wait3A_65 : memref<256x128xf32, #tpu.memory_space<hbm>>)
    return
  }
}

</mosaic_0001>

<sc_bundles>
// kernel: kernel.3.cloned.1.call-start
scs
__scs_entry_jumppad:
0x0: {  	(pc) =	sbr.rel $0x88, $3  }
0x1: {  	(tag) =	ssettag $0x0;
	lr =	simm.s32 $0x1  }
0x2: {  	[smem:$0x3F9F] =	sst lr;
	_ =	strace $0xD0000000  }
0x3: {  	_ = 	snop  }
0x4: {  	_ = 	snop  }
0x5: {  	_ = 	snop  }
0x6: {  	_ = 	snop  }
0x7: {  	_ = 	snop  }
__scs_overlays_trampoline_lowered:
0x8: {  	[smem:$0x3FAE] =	sst s0  }
0x9: {  	[smem:$0x3FAF] =	sst s1  }
0xa: {  	[smem:$0x3FB0] =	sst s2  }
0xb: {  	[smem:$0x3FB1] =	sst s3  }
0xc: {  	[smem:$0x3FB2] =	sst s4  }
0xd: {  	[smem:$0x3FB3] =	sst s5  }
0xe: {  	[smem:$0x3FB4] =	sst s6  }
0xf: {  	[smem:$0x3FB5] =	sst s7  }
0x10: {  	[smem:$0x3FB6] =	sst s8  }
0x11: {  	[smem:$0x3FB7] =	sst s9;
	s0 =	simm.s32 @!p0 $0x0  }
0x12: {  	s1 =	sld [smem:$0x3F9D];
	s0 =	simm.s32 @p0 $0x1  }
0x13: {  	[smem:$0x3FB8] =	sst s0;
	s0 =	simm.s32 @!p1 $0x0  }
0x14: {  	s2 =	sld [smem:$0x3F9C];
	s0 =	simm.s32 @p1 $0x1  }
0x15: {  	[smem:$0x3FB9] =	sst s0;
	s0 =	simm.s32 @!p2 $0x0  }
0x16: {  	s3 =	sld [smem:$0x3FDB];
	s0 =	simm.s32 @p2 $0x1  }
0x17: {  	s4 =	simm.s32 $0x1BF5;
	[smem:$0x3FBB] =	sst s0  }
0x18: {  	s0 =	sld [smem:$0x3F9E];
	_ =	swait.ge [sflag:s4], $0x0  }
0x19: {  	s7 =	sld [smem:$0x3F9F]  }
0x1a: {  	s8 =	sadd.s32 $0xFFFFE003, lr  }
0x1b: {  	s9 =	sadd.s32 $0xFFFFFEF7, lr;
	s5 =	simm.s32 $0xFFFFFFFF;
	p2 =	slt.u32 s8, $0xFFFFF086  }
0x1c: {  	p1 =	slt.u32 s9, $0xF7A;
	s5 =	simm.s32 @!p2 $0x0  }
0x1d: {  	s5 =	simm.s32 @p1 $0x1;
	p0 =	seq.s32 s7, s2  }
0x1e: {  	s7 =	smul.u32 @!p0 $0xF7A, s2;
	p2 =	seq.s32 @!p0 s5, $0x0  }
0x1f: {  	s9 =	smul.u32 $0xF7A, s1;
	s8 =	simm.s32 @!p0 $0x1BF5;
	p2 =	por !p2, p0  }
0x20: {  	[sflag:s8] =	ssyncset.s32 @!p0 $0xFFFFF086;
	s6 =	sadd.s32 @!p0 s3, s7;
	s7 =	simm.s32 @!p0 $0x108  }
0x21: {  	s3 =	sadd.s32 s3, s9;
	s6 =	sadd.s32 @!p0 $0x88, s6;
	s7 =	simm.s32 @p2 $0x1082  }
0x22: {  	[simem:s7], [sflag:s8] =	dma.local @!p0 [hbm:s6], $0xF7A  }
0x23: {  	s9 =	sor.u32 $0xD0000000, s2;
	s6 =	simm.s32 $0x108;
	_ =	swait.ge @!p0 [sflag:s8], $0x0  }
0x24: {  	s3 =	sadd.s32 $0x88, s3;
	s6 =	simm.s32 @!p1 $0x1082;
	[sflag:s4] =	ssyncset.s32 $0xFFFFF086  }
0x25: {  	[simem:s6], [sflag:s4] =	dma.local [hbm:s3], $0xF7A  }
0x26: {  	[smem:$0x3F9F] =	sst s1;
	(tag) =	ssettag s2;
	_ =	strace s9  }
0x27: {  	s1 =	sld [smem:$0x3FAF]  }
0x28: {  	s2 =	sld [smem:$0x3FB0]  }
0x29: {  	s4 =	sld [smem:$0x3FB2]  }
0x2a: {  	p0 =	seq.s32 s5, $0x0;
	s5 =	sld [smem:$0x3FB3]  }
0x2b: {  	s6 =	sld [smem:$0x3FB4]  }
0x2c: {  	s7 =	sld [smem:$0x3FB5]  }
0x2d: {  	s3 =	simm.s32 $0x108;
	s8 =	sld [smem:$0x3FB6]  }
0x2e: {  	s3 =	simm.s32 @!p0 $0x1082;
	s9 =	sld [smem:$0x3FB7]  }
0x2f: {  	lr =	sadd.s32 s0, s3;
	s0 =	sld [smem:$0x3FAE]  }
0x30: {  	s3 =	sld [smem:$0x3FB1]  }
0x31: {  	[smem:$0x3FBA] =	sst s10  }
0x32: {  	s10 =	sld [smem:$0x3FB8];
	_ =	sdelay $0x3  }
0x33: {  	p0 =	seq.s32 s10, $0x1;
	s10 =	sld [smem:$0x3FBA];
	_ =	sdelay $0x3  }
0x34: {  	[smem:$0x3FBA] =	sst s10  }
0x35: {  	s10 =	sld [smem:$0x3FB9];
	_ =	sdelay $0x3  }
0x36: {  	p1 =	seq.s32 s10, $0x1;
	s10 =	sld [smem:$0x3FBA];
	_ =	sdelay $0x3  }
0x37: {  	[smem:$0x3FBA] =	sst s10  }
0x38: {  	s10 =	sld [smem:$0x3FBB]  }
0x39: {  	_ = 	snop;
	(pc) =	sbr.ind lr, $3  }
0x3a: {  	_ = 	snop  }
0x3b: {  	_ = 	snop  }
0x3c: {  	p2 =	seq.s32 s10, $0x1;
	s10 =	sld [smem:$0x3FBA]  }
0x3d: {  	_ =	shalt  }
0x3e: {  	_ =	shalt  }
0x3f: {  	_ =	shalt  }
0x40: {  	_ =	shalt  }
0x41: {  	_ =	shalt  }
0x42: {  	_ =	shalt  }
0x43: {  	_ =	shalt  }
0x44: {  	_ =	shalt  }
0x45: {  	_ =	shalt  }
0x46: {  	_ =	shalt  }
0x47: {  	_ =	shalt  }
0x48: {  	_ =	shalt  }
0x49: {  	_ =	shalt  }
0x4a: {  	_ =	shalt  }
0x4b: {  	_ =	shalt  }
0x4c: {  	_ =	shalt  }
0x4d: {  	_ =	shalt  }
0x4e: {  	_ =	shalt  }
0x4f: {  	_ =	shalt  }
0x50: {  	_ =	shalt  }
0x51: {  	_ =	shalt  }
0x52: {  	_ =	shalt  }
0x53: {  	_ =	shalt  }
0x54: {  	_ =	shalt  }
0x55: {  	_ =	shalt  }
0x56: {  	_ =	shalt  }
0x57: {  	_ =	shalt  }
0x58: {  	_ =	shalt  }
0x59: {  	_ =	shalt  }
0x5a: {  	_ =	shalt  }
0x5b: {  	_ =	shalt  }
0x5c: {  	_ =	shalt  }
0x5d: {  	_ =	shalt  }
0x5e: {  	_ =	shalt  }
0x5f: {  	_ =	shalt  }
0x60: {  	_ =	shalt  }
0x61: {  	_ =	shalt  }
0x62: {  	_ =	shalt  }
0x63: {  	_ =	shalt  }
0x64: {  	_ =	shalt  }
0x65: {  	_ =	shalt  }
0x66: {  	_ =	shalt  }
0x67: {  	_ =	shalt  }
0x68: {  	_ =	shalt  }
0x69: {  	_ =	shalt  }
0x6a: {  	_ =	shalt  }
0x6b: {  	_ =	shalt  }
0x6c: {  	_ =	shalt  }
0x6d: {  	_ =	shalt  }
0x6e: {  	_ =	shalt  }
0x6f: {  	_ =	shalt  }
0x70: {  	_ =	shalt  }
0x71: {  	_ =	shalt  }
0x72: {  	_ =	shalt  }
0x73: {  	_ =	shalt  }
0x74: {  	_ =	shalt  }
0x75: {  	_ =	shalt  }
0x76: {  	_ =	shalt  }
0x77: {  	_ =	shalt  }
0x78: {  	_ =	shalt  }
0x79: {  	_ =	shalt  }
0x7a: {  	_ =	shalt  }
0x7b: {  	_ =	shalt  }
0x7c: {  	_ =	shalt  }
0x7d: {  	_ =	shalt  }
0x7e: {  	_ =	shalt  }
0x7f: {  	_ =	shalt  }
0x80: {  	_ =	shalt  }
0x81: {  	_ =	shalt  }
0x82: {  	_ =	shalt  }
0x83: {  	_ =	shalt  }
0x84: {  	_ =	shalt  }
0x85: {  	_ =	shalt  }
0x86: {  	_ =	shalt  }
0x87: {  	_ =	shalt  }
.Lfunc_end0:
.L_simem_size_0:
called_computation_lowered:
.L_overlay_start_0:
0x88: {  	s2 =	sld [smem:$0x3FD9]  }
0x89: {  	s3 =	sld [smem:$0x3FFE];
	_ =	sdelay $0x1  }
0x8a: {  	s1 =	srdreg.scid  }
0x8b: {  	s0 =	sand.u32 $0x1, s1  }
0x8c: {  	s17 =	sshll.u32 s0, $0xA;
	s2 =	sadd.s32 s3, s2  }
0x8d: {  	s2 =	sadd.s32 s2, s17  }
0x8e: {  	[smem:$0x3FC6] =	sst s2  }
0x8f: {  	_ = 	snop  }
0x90: {  	s2 =	sld [smem:$0x3FD0];
	(tm) =	ssettm $0x1  }
0x91: {  	s18 =	sld [smem:$0x3FFB];
	_ =	sdelay $0x3  }
0x92: {  	_ =	strace s18  }
0x93: {  	s3 =	sld [smem:$0x3FFC];
	_ =	sdelay $0x3  }
0x94: {  	_ =	strace s3  }
0x95: {  	s3 =	sld [smem:$0x3FFD];
	_ =	sdelay $0x3  }
0x96: {  	_ =	strace s3  }
0x97: {  	_ =	strace $0x8FFFFFFF  }
0x98: {  	s19 =	sld [smem:$0x3FDB];
	_ =	sdelay $0x1  }
0x99: {  	s4 =	simm.s32 $_scs_section_size  }
0x9a: {  	s5 =	simm.s32 $_size__tile_overlayer_lowered;
	s6 =	simm.s32 $_tile_overlayer_lowered  }
0x9b: {  	s22 =	simm.s32 $0x1BFF;
	s21 =	sshll.u32 s6, $0x1;
	s3 =	sadd.s32 s4, s19  }
0x9c: {  	s7 =	simm.s32 $0x0;
	s20 =	sshll.u32 s5, $0x1;
	s5 =	sadd.s32 s21, s3  }
0x9d: {  	[timem:s7], [sflag:s22] =	dma.local [hbm:s5], s20  }
0x9e: {  	_ =	swait.ge [sflag:s22], s20  }
0x9f: {  	s4 =	ssub.s32 $0x0, s20;
	[sflag:s22] =	ssyncset.done $0x0  }
0xa0: {  	[sflag:s22] =	ssyncadd.s32 s4;
	_ =	sdelay $0x1  }
0xa1: {  	s23 =	simm.s32 $0x1B8B  }
0xa2: {  	_ =	swait.ge [sflag:s23], $0x1  }
0xa3: {  	[sflag:s23] =	ssyncset.done $0x0  }
0xa4: {  	s25 =	simm.s32 $0x1B8E;
	s24 =	sld [smem:$0x3FFE];
	[sflag:s23] =	ssyncadd.s32 $0xFFFFFFFF  }
0xa5: {  	s26 =	simm.s32 $execute0_lowered;
	[smem:$0x3FD2] =	sst s25  }
0xa6: {  	s5 =	sshll.u32 s26, $0x1;
	_ =	strace $0x80000046;
	[dreg:$0x1] =	wrdreg $0xFFFFFFFF  }
0xa7: {  	s28 =	simm.s32 $_size_execute0_lowered;
	s3 =	sadd.s32 s3, s5;
	[dreg:$0x0] =	wrdreg $0x0  }
0xa8: {  	s5 =	sshll.u32 s28, $0x1;
	[dreg:$0x2] =	wrdreg s3  }
0xa9: {  	[dreg:$0x3] =	wrdreg s5  }
0xaa: {  	[dreg:$0x4] =	wrdreg $0xC0  }
0xab: {  	_ =	task [dreg:s7], $0x5FFFF  }
0xac: {  	[dreg:$0x1] =	wrdreg $0xFFFFFFFF  }
0xad: {  	[dreg:$0x0] =	wrdreg $0x60  }
0xae: {  	[dreg:$0x2] =	wrdreg s24  }
0xaf: {  	[dreg:$0x3] =	wrdreg s2  }
0xb0: {  	[dreg:$0x4] =	wrdreg $0x102000  }
0xb1: {  	[dreg:$0x5] =	wrdreg $0x9  }
0xb2: {  	_ =	task.clear_ibuf [dreg:s7], $0x6FFFF;
	_ =	strace $0x90000046  }
0xb3: {  	s29 =	simm.s32 $0x9;
	_ =	strace $0x80000048  }
0xb4: {  	_ =	swait.ge [sflag:s29], $0x1  }
0xb5: {  	[sflag:s29] =	ssyncadd.s32 $0xFFFFFFFF  }
0xb6: {  	_ =	strace $0x90000048  }
0xb7: {  	_ =	sfence  }
0xb8: {  	s30 =	sld [smem:$0x0];
	_ =	sdelay $0x2  }
0xb9: {  	s31 =	sshll.u32 s1, $0xD;
	s1 =	sshrl.u32 s1, $0x2  }
0xba: {  	s3 =	sand.u32 $0x4000, s31;
	s1 =	sadd.s32 s1, s30  }
0xbb: {  	s0 =	sor.u32 s3, s0;
	s1 =	sshll.u32 s1, $0x11  }
0xbc: {  	s0 =	sor.u32 s1, s0  }
0xbd: {  	s0 =	sadd.s32 $0x8F2B, s0  }
0xbe: {  	[sflag:s0] =	ssyncadd.remote.s32 $0x1  }
0xbf: {  	_ =	sfence.sel $0xFFFF  }
0xc0: {  	[dreg:$0x0] =	wrdreg $0xFFFFFFFF;
	(pc) =	sbr.abs _section_cstart, $3  }
0xc1: {  	[dreg:$0x1] =	wrdreg $0xFFFFFFFF  }
0xc2: {  	_ =	task.clear_ibuf [dreg:s7], $0x2FFFF;
	_ =	strace $0x9FFFFFFF  }
0xc3: {  	(tm) =	ssettm $0x7FFFFFFF  }
tec
execute0_lowered:
.L_overlay_start_1:
0x0: {  	(tag) =	ssettag $0x1  }
0x1: {  	s0 =	rddreg [dreg:$0x0]  }
0x2: {  	s1 =	rddreg [dreg:$0x1]  }
0x3: {  	s2 =	rddreg [dreg:$0x2];
	s3 =	simm.s32 $0x0;
	s4 =	srdreg.scid  }
0x4: {  	s15 =	stileid.u32;
	s16 =	simm.s32 $0x1;
	s17 =	simm.s32 $0x80  }
0x5: {  	s29 =	simm.s32 $0x4200;
	s30 =	simm.s32 $0x180;
	s31 =	simm.s32 $0xC200  }
0x6: {  	[smem:$0x7FF] =	sst s3;
	s9 =	sand.u32 $0x1, s4;
	s18 =	sshll.u32 s15, $0x1  }
0x7: {  	s19 =	sadd.s32 $0x64600, s0;
	s10 =	smul.u32 $0x320000, s15;
	s23 =	sshll.u32 s15, $0x7  }
0x8: {  	s21 =	sshll.u32 s15, $0xE;
	s22 =	sshll.u32 s15, $0x6;
	s12 =	smul.u32 $0x1900000, s15  }
0x9: {  	s15 =	smul.u32 $0x32000, s15;
	_ =	strace $0x80000047;
	s6 =	ssub.s32 $0x2, s9  }
0xa: {  	s5 =	sor.u32 s9, s18;
	[dreg:$0x7] =	wrdreg s19;
	s11 =	smul.u32 $0x190000, s9  }
0xb: {  	s13 =	sadd.s32 s21, s2;
	s24 =	sor.u32 $0x1C07, s22;
	s14 =	smul.u32 $0xC80000, s9  }
0xc: {  	s26 =	smul.u32 $0x19000, s9;
	s18 =	simm.s32 $0x200;
	[dreg:$0x4] =	wrdreg s29  }
0xd: {  	s19 =	simm.s32 $0x3;
	[dreg:$0x6] =	wrdreg s30;
	s21 =	simm.s32 $0x8200  }
0xe: {  	[dreg:$0x5] =	wrdreg s31;
	s22 =	simm.s32 $0x4;
	v0 =	vmov s23;
	s23 =	simm.s32 $0x5  }
0xf: {  	s7 =	sshrl.u32 s6, $0x1;
	s8 =	smul.u32 $0x3200, s5;
	s5 =	sadd.s32 $0x600, s0  }
0x10: {  	[dreg:$0x8] =	wrdreg s24;
	s10 =	sadd.s32 s10, s1;
	s13 =	sshrl.u32 s13, $0x3  }
0x11: {  	s24 =	simm.s32 $0x6;
	s20 =	ssub.s32 s6, s7;
	s10 =	sadd.s32 s11, s10  }
0x12: {  	s25 =	sadd.s32 s14, s12;
	s12 =	sadd.s32 s26, s15;
	s14 =	simm.s32 $0x7  }
0x13: {  	s15 =	simm.s32 $0x100;
	s7 =	sadd.s32 s5, s8;
	s9 =	smax.u32 s20, $0x1  }
0x14: {  	s10 =	sadd.s32 $0x1000, s10;
	s28 =	sshrl.u32 s25, $0x3;
	s20 =	simm.s32 $0x2  }
0x15: {  	s25 =	simm.s32 $0x0;
	s8 =	sadd.s32 $0x20, s7;
	s11 =	sadd.s32 s28, s1  }
.LBB2_1:
0x16: {  	s0 =	rddreg [dreg:$0x7]  }
0x17: {  	s1 =	rddreg [dreg:$0x8]  }
0x18: {  	[spmem:s13], [sflag:s1] =	dma.local [hbm:s0], $0x800  }
0x19: {  	_ =	swait.ge [sflag:s14], $0x800  }
0x1a: {  	[sflag:s14] =	ssyncset.done $0x0  }
0x1b: {  	[sflag:s14] =	ssyncadd.s32 $0xFFFFF800  }
0x1c: {  	[bflag:$0x0] =	sbarrier.arrive $0xFFFF  }
0x1d: {  	[tilespmem:s3], [sflag:$0x1] =	stream.linear.gather [hbm4b:s7+s3], $0x100, $0x38;
	[tilespmem:$0x14200] =	vst v63  }
0x1e: {  	_ = 	snop  }
0x1f: {  	[tilespmem:s15], [sflag:$0x2] =	stream.linear.gather [hbm4b:s8+s3], $0x100, $0x38;
	[tilespmem:$0x14200] =	vst v63  }
0x20: {  	_ =	swait.ge [sflag:s16], $0x100  }
0x21: {  	[sflag:s16] =	ssyncset.done $0x0  }
0x22: {  	[sflag:s16] =	ssyncadd.s32 $0xFFFFFF00  }
0x23: {  	v1 =	vld [tilespmem:$0xF0]  }
0x24: {  	v2 =	vld [tilespmem:$0xB0]  }
0x25: {  	v3 =	vld [tilespmem:$0xD0]  }
0x26: {  	v4 =	vld [tilespmem:$0x30]  }
0x27: {  	v5 =	vld [tilespmem:$0x80]  }
0x28: {  	v6 =	vld [tilespmem:$0x60]  }
0x29: {  	v7 =	vld [tilespmem:$0x70];
	v1 =	vadd.s32 v0, v1  }
0x2a: {  	v59 =	vld [tilespmem:$0x90];
	v2 =	vadd.s32 v0, v2;
	[tilespmem:$0xF0] =	vst v1  }
0x2b: {  	v4 =	vadd.s32 v0, v4;
	v1 =	vld [tilespmem:$0x40];
	[tilespmem:$0xB0] =	vst v2  }
0x2c: {  	v58 =	vadd.s32 v0, v5;
	v2 =	vadd.s32 v0, v3;
	v3 =	vld [tilespmem:$0x50];
	[tilespmem:$0x30] =	vst v4  }
0x2d: {  	v62 =	vld [tilespmem:$0xA0];
	[tilespmem:$0x80] =	vst v58  }
0x2e: {  	v60 =	vadd.s32 v0, v6;
	[tilespmem:$0xD0] =	vst v2;
	v2 =	vld [tilespmem:$0x10]  }
0x2f: {  	v5 =	vadd.s32 v0, v59;
	[tilespmem:$0x60] =	vst v60  }
0x30: {  	v61 =	vld [tilespmem:$0x20];
	[tilespmem:$0x90] =	vst v5;
	v1 =	vadd.s32 v0, v1  }
0x31: {  	v63 =	vld [tilespmem:$0x0];
	v3 =	vadd.s32 v0, v3;
	[tilespmem:$0x40] =	vst v1  }
0x32: {  	v1 =	vadd.s32 v0, v7;
	[tilespmem:$0x50] =	vst v3;
	v3 =	vld [tilespmem:$0xC0]  }
0x33: {  	v4 =	vadd.s32 v0, v62;
	[tilespmem:$0x70] =	vst v1;
	v1 =	vadd.s32 v0, v2;
	v2 =	vld [tilespmem:$0xE0]  }
0x34: {  	[tilespmem:$0xA0] =	vst v4  }
0x35: {  	[tilespmem:$0x10] =	vst v1;
	v1 =	vadd.s32 v0, v61  }
0x36: {  	[tilespmem:$0x20] =	vst v1;
	v1 =	vadd.s32 v0, v63  }
0x37: {  	[tilespmem:$0x0] =	vst v1;
	v1 =	vadd.s32 v0, v3  }
0x38: {  	p1 =	por $0x1, $0x1;
	v2 =	vadd.s32 v0, v2;
	[tilespmem:$0xC0] =	vst v1  }
0x39: {  	s0 =	simm.s32 @!p1 $0x5;
	[tilespmem:$0xE0] =	vst v2  }
0x3a: {  	_ =	swait.ge @!p1 [sflag:s0], $0x8000  }
0x3b: {  	[sflag:s0] =	ssyncset.done @!p1 $0x0  }
0x3c: {  	[sflag:s0] =	ssyncadd.s32 @!p1 $0xFFFF8000  }
0x3d: {  	[tilespmem:s18], [sflag:$0x3] =	stream.indirect.gather [spmem:s2], $0x80, s3, s17, $0xb8;
	[tilespmem:$0x14200] =	vst v63  }
0x3e: {  	p0 =	por $0x0, $0x0;
	s31 =	rddreg [dreg:$0x4]  }
0x3f: {  	[tilespmem:s31], [sflag:$0x3] =	stream.indirect.gather [spmem:s2], $0x80, s17, s17, $0xb8;
	[tilespmem:$0x14200] =	vst v63  }
0x40: {  	s0 =	sadd.s32 @!p0 $0x0, s12;
	_ =	swait.ge [sflag:s19], $0x4000  }
0x41: {  	s1 =	sxor.u32 @!p0 $0xFFFFFFFF, s3;
	s0 =	sadd.s32 @!p0 $0x200, s0;
	[sflag:s19] =	ssyncset.done $0x0  }
0x42: {  	s1 =	sand.u32 @!p0 $0x200, s1;
	s0 =	sand.u32 @!p0 $0x7FFC00, s0;
	[sflag:s19] =	ssyncadd.s32 $0xFFFFC000  }
0x43: {  	s0 =	sor.u32 @!p0 s1, s0;
	_ =	swait.ge [sflag:s19], $0x4000  }
0x44: {  	s0 =	sshrl.u32 @!p0 s0, $0x3;
	[sflag:s19] =	ssyncset.done $0x0  }
0x45: {  	s1 =	sadd.s32 @!p0 s5, s0;
	s0 =	simm.s32 @!p0 $0x0;
	[sflag:s19] =	ssyncadd.s32 $0xFFFFC000  }
0x46: {  	[tilespmem:s0], [sflag:$0x1] =	stream.linear.gather @!p0 [hbm4b:s1+s0], $0x100, $0x38;
	[tilespmem:$0x14200] =	vst v63  }
0x47: {  	_ = 	snop  }
0x48: {  	[hbm4b:s11+s3] =	stream.linear.scatter [tilespmem:s18], [sflag:$0x5], $0x8000, $0x38;
	[tilespmem:$0x14200] =	vst v63  }
0x49: {  	s26 =	sadd.s32 @!p0 $0x300, s12;
	s1 =	simm.s32 @!p0 $0x300;
	_ =	swait.ge [sflag:s20], $0x100  }
0x4a: {  	s26 =	sand.u32 @!p0 $0x7FFC00, s26;
	s1 =	sand.u32 @!p0 $0x300, s1;
	[sflag:s20] =	ssyncset.done $0x0  }
0x4b: {  	s1 =	sor.u32 @!p0 s1, s26;
	[sflag:s20] =	ssyncadd.s32 $0xFFFFFF00  }
0x4c: {  	s28 =	simm.s32 $0x200;
	s29 =	smov.u32 s10;
	s1 =	sshrl.u32 @!p0 s1, $0x3;
	v2 =	vld [tilespmem:$0x100]  }
0x4d: {  	s30 =	smov.u32 s11;
	s26 =	smov.u32 s10;
	s1 =	sadd.s32 @!p0 s5, s1;
	v1 =	vld [tilespmem:$0x110]  }
.LBB2_2:
0x4e: {  	v3 =	vld [tilespmem:$0x120]  }
0x4f: {  	v4 =	vld [tilespmem:$0x130]  }
0x50: {  	v5 =	vld [tilespmem:$0x140]  }
0x51: {  	v6 =	vld [tilespmem:$0x150];
	v2 =	vadd.s32 v0, v2  }
0x52: {  	v1 =	vadd.s32 v0, v1;
	[tilespmem:$0x100] =	vst v2;
	v2 =	vld [tilespmem:$0x160]  }
0x53: {  	[tilespmem:$0x110] =	vst v1;
	v1 =	vadd.s32 v0, v3;
	v3 =	vld [tilespmem:$0x170]  }
0x54: {  	v50 =	vld [tilespmem:$0x180];
	[tilespmem:$0x120] =	vst v1;
	v1 =	vadd.s32 v0, v4  }
0x55: {  	v51 =	vld [tilespmem:$0x190];
	[tilespmem:$0x130] =	vst v1;
	v1 =	vadd.s32 v0, v5  }
0x56: {  	v52 =	vld [tilespmem:$0x1A0];
	[tilespmem:$0x140] =	vst v1;
	v1 =	vadd.s32 v0, v6  }
0x57: {  	[tilespmem:$0x150] =	vst v1;
	v1 =	vadd.s32 v0, v2;
	v2 =	vld [tilespmem:$0x1B0]  }
0x58: {  	[tilespmem:$0x160] =	vst v1;
	v1 =	vadd.s32 v0, v3;
	v3 =	vld [tilespmem:$0x1C0]  }
0x59: {  	v53 =	vld [tilespmem:$0x1D0];
	[tilespmem:$0x170] =	vst v1;
	v1 =	vadd.s32 v0, v50  }
0x5a: {  	v54 =	vld [tilespmem:$0x1E0];
	[tilespmem:$0x180] =	vst v1;
	v1 =	vadd.s32 v0, v51  }
0x5b: {  	v55 =	vld [tilespmem:$0x1F0];
	[tilespmem:$0x190] =	vst v1;
	v1 =	vadd.s32 v0, v52  }
0x5c: {  	[tilespmem:$0x1A0] =	vst v1;
	v1 =	vadd.s32 v0, v2  }
0x5d: {  	[tilespmem:$0x1B0] =	vst v1;
	v1 =	vadd.s32 v0, v3  }
0x5e: {  	[tilespmem:$0x1C0] =	vst v1;
	v1 =	vadd.s32 v0, v53  }
0x5f: {  	[tilespmem:$0x1D0] =	vst v1;
	v1 =	vadd.s32 v0, v54  }
0x60: {  	[tilespmem:$0x1E0] =	vst v1;
	v1 =	vadd.s32 v0, v55  }
0x61: {  	s4 =	simm.s32 @!p1 $0x6;
	[tilespmem:$0x1F0] =	vst v1  }
0x62: {  	_ =	swait.ge @!p1 [sflag:s4], $0x8000  }
0x63: {  	[sflag:s4] =	ssyncset.done @!p1 $0x0  }
0x64: {  	s6 =	rddreg [dreg:$0x6];
	[sflag:s4] =	ssyncadd.s32 @!p1 $0xFFFF8000  }
0x65: {  	[tilespmem:s21], [sflag:$0x4] =	stream.indirect.gather [spmem:s2], $0x80, s15, s17, $0xb8;
	[tilespmem:$0x14200] =	vst v63  }
0x66: {  	s4 =	rddreg [dreg:$0x5]  }
0x67: {  	[tilespmem:s4], [sflag:$0x4] =	stream.indirect.gather [spmem:s2], $0x80, s6, s17, $0xb8;
	[tilespmem:$0x14200] =	vst v63  }
0x68: {  	_ =	swait.ge [sflag:s22], $0x4000  }
0x69: {  	[sflag:s22] =	ssyncset.done $0x0  }
0x6a: {  	[sflag:s22] =	ssyncadd.s32 $0xFFFFC000  }
0x6b: {  	_ =	swait.ge [sflag:s22], $0x4000  }
0x6c: {  	[sflag:s22] =	ssyncset.done $0x0  }
0x6d: {  	s4 =	simm.s32 @!p0 $0x100;
	[sflag:s22] =	ssyncadd.s32 $0xFFFFC000  }
0x6e: {  	[tilespmem:s4], [sflag:$0x2] =	stream.linear.gather @!p0 [hbm4b:s1+s0], $0x100, $0x38;
	[tilespmem:$0x14200] =	vst v63  }
0x6f: {  	_ = 	snop  }
0x70: {  	[hbm4b:s26+s3] =	stream.linear.scatter [tilespmem:s21], [sflag:$0x6], $0x8000, $0x38;
	[tilespmem:$0x14200] =	vst v63  }
0x71: {  	_ =	swait.ge [sflag:s16], $0x100  }
0x72: {  	[sflag:s16] =	ssyncset.done $0x0  }
0x73: {  	[sflag:s16] =	ssyncadd.s32 $0xFFFFFF00  }
0x74: {  	v1 =	vld [tilespmem:$0xF0]  }
0x75: {  	v2 =	vld [tilespmem:$0xB0]  }
0x76: {  	v3 =	vld [tilespmem:$0x70]  }
0x77: {  	v56 =	vld [tilespmem:$0xD0]  }
0x78: {  	v57 =	vld [tilespmem:$0x30]  }
0x79: {  	v58 =	vld [tilespmem:$0x80]  }
0x7a: {  	v7 =	vld [tilespmem:$0x50];
	v1 =	vadd.s32 v0, v1  }
0x7b: {  	v8 =	vld [tilespmem:$0x10];
	v2 =	vadd.s32 v0, v2;
	[tilespmem:$0xF0] =	vst v1  }
0x7c: {  	v4 =	vadd.s32 v0, v56;
	[tilespmem:$0xB0] =	vst v2;
	v2 =	vld [tilespmem:$0x40]  }
0x7d: {  	v62 =	vld [tilespmem:$0x20];
	v5 =	vadd.s32 v0, v57;
	[tilespmem:$0xD0] =	vst v4  }
0x7e: {  	v59 =	vadd.s32 v0, v58;
	v1 =	vld [tilespmem:$0x60];
	[tilespmem:$0x30] =	vst v5  }
0x7f: {  	v61 =	vld [tilespmem:$0xA0];
	v7 =	vadd.s32 v0, v7;
	[tilespmem:$0x80] =	vst v59  }
0x80: {  	v60 =	vld [tilespmem:$0x90];
	v8 =	vadd.s32 v0, v8;
	[tilespmem:$0x50] =	vst v7  }
0x81: {  	v9 =	vld [tilespmem:$0x0];
	[tilespmem:$0x10] =	vst v8;
	v2 =	vadd.s32 v0, v2  }
0x82: {  	v63 =	vadd.s32 v0, v62;
	[tilespmem:$0x40] =	vst v2;
	v2 =	vadd.s32 v0, v3;
	v3 =	vld [tilespmem:$0xE0]  }
0x83: {  	[tilespmem:$0x20] =	vst v63;
	v1 =	vadd.s32 v0, v1  }
0x84: {  	v4 =	vadd.s32 v0, v61;
	[tilespmem:$0x60] =	vst v1;
	v1 =	vld [tilespmem:$0xC0]  }
0x85: {  	[tilespmem:$0xA0] =	vst v4  }
0x86: {  	[tilespmem:$0x70] =	vst v2;
	v2 =	vadd.s32 v0, v60  }
0x87: {  	[tilespmem:$0x90] =	vst v2;
	v2 =	vadd.s32 v0, v3;
	v3 =	vadd.s32 v0, v9  }
0x88: {  	s31 =	smov.u32 s28;
	[tilespmem:$0x0] =	vst v3  }
0x89: {  	p1 =	seq.s32 s31, $0x0;
	v1 =	vadd.s32 v0, v1;
	[tilespmem:$0xE0] =	vst v2  }
0x8a: {  	s0 =	simm.s32 @!p1 $0x5;
	[tilespmem:$0xC0] =	vst v1  }
0x8b: {  	_ =	swait.ge @!p1 [sflag:s0], $0x8000  }
0x8c: {  	[sflag:s0] =	ssyncset.done @!p1 $0x0  }
0x8d: {  	[sflag:s0] =	ssyncadd.s32 @!p1 $0xFFFF8000  }
0x8e: {  	[tilespmem:s18], [sflag:$0x3] =	stream.indirect.gather [spmem:s2], $0x80, s3, s17, $0xb8;
	[tilespmem:$0x14200] =	vst v63  }
0x8f: {  	p0 =	seq.s32 s31, $0x18E00;
	s6 =	rddreg [dreg:$0x4]  }
0x90: {  	[tilespmem:s6], [sflag:$0x3] =	stream.indirect.gather [spmem:s2], $0x80, s17, s17, $0xb8;
	[tilespmem:$0x14200] =	vst v63  }
0x91: {  	s1 =	sadd.s32 @!p0 s31, s12;
	_ =	swait.ge [sflag:s19], $0x4000  }
0x92: {  	s4 =	sxor.u32 @!p0 $0xFFFFFFFF, s31;
	s0 =	sadd.s32 @!p0 $0x200, s1;
	[sflag:s19] =	ssyncset.done $0x0  }
0x93: {  	s1 =	sand.u32 @!p0 $0x200, s4;
	s0 =	sand.u32 @!p0 $0x7FFC00, s0;
	[sflag:s19] =	ssyncadd.s32 $0xFFFFC000  }
0x94: {  	s0 =	sor.u32 @!p0 s1, s0;
	_ =	swait.ge [sflag:s19], $0x4000  }
0x95: {  	s28 =	sadd.s32 $0x200, s28;
	s0 =	sshrl.u32 @!p0 s0, $0x3;
	[sflag:s19] =	ssyncset.done $0x0  }
0x96: {  	s6 =	sadd.s32 @!p0 s5, s0;
	s0 =	simm.s32 @!p0 $0x0;
	[sflag:s19] =	ssyncadd.s32 $0xFFFFC000  }
0x97: {  	[tilespmem:s0], [sflag:$0x1] =	stream.linear.gather @!p0 [hbm4b:s6+s0], $0x100, $0x38;
	[tilespmem:$0x14200] =	vst v63  }
0x98: {  	s30 =	sadd.s32 $0x2000, s30;
	p2 =	sne.s32 s28, $0x19000;
	s4 =	sadd.s32 @!p0 $0x300, s31  }
0x99: {  	[hbm4b:s30+s3] =	stream.linear.scatter [tilespmem:s18], [sflag:$0x5], $0x8000, $0x38;
	[tilespmem:$0x14200] =	vst v63  }
.Ltmp0:
0x9a: {  	s1 =	sadd.s32 @!p0 s12, s4;
	_ =	swait.ge [sflag:s20], $0x100;
	(pc) =	sbr.rel @p2 .LBB2_2-.Ltmp0, $4  }
0x9b: {  	s4 =	sand.u32 @!p0 $0x300, s4;
	s1 =	sand.u32 @!p0 $0x7FFC00, s1;
	[sflag:s20] =	ssyncset.done $0x0  }
0x9c: {  	s1 =	sor.u32 @!p0 s4, s1;
	[sflag:s20] =	ssyncadd.s32 $0xFFFFFF00  }
0x9d: {  	s29 =	sadd.s32 $0x2000, s29;
	s1 =	sshrl.u32 @!p0 s1, $0x3;
	v2 =	vld [tilespmem:$0x100]  }
0x9e: {  	s26 =	smov.u32 s29;
	s1 =	sadd.s32 @!p0 s5, s1;
	v1 =	vld [tilespmem:$0x110]  }
0x9f: {  	v3 =	vld [tilespmem:$0x120]  }
0xa0: {  	v4 =	vld [tilespmem:$0x130]  }
0xa1: {  	v5 =	vld [tilespmem:$0x140]  }
0xa2: {  	v6 =	vld [tilespmem:$0x150];
	v2 =	vadd.s32 v0, v2  }
0xa3: {  	[tilespmem:$0x100] =	vst v2;
	v1 =	vadd.s32 v0, v1;
	v2 =	vld [tilespmem:$0x160]  }
0xa4: {  	[tilespmem:$0x110] =	vst v1;
	v1 =	vadd.s32 v0, v3;
	v3 =	vld [tilespmem:$0x170]  }
0xa5: {  	v58 =	vld [tilespmem:$0x180];
	[tilespmem:$0x120] =	vst v1;
	v1 =	vadd.s32 v0, v4  }
0xa6: {  	v59 =	vld [tilespmem:$0x190];
	[tilespmem:$0x130] =	vst v1;
	v1 =	vadd.s32 v0, v5  }
0xa7: {  	v60 =	vld [tilespmem:$0x1A0];
	[tilespmem:$0x140] =	vst v1;
	v1 =	vadd.s32 v0, v6  }
0xa8: {  	[tilespmem:$0x150] =	vst v1;
	v1 =	vadd.s32 v0, v2;
	v2 =	vld [tilespmem:$0x1B0]  }
0xa9: {  	[tilespmem:$0x160] =	vst v1;
	v1 =	vadd.s32 v0, v3;
	v3 =	vld [tilespmem:$0x1C0]  }
0xaa: {  	v61 =	vld [tilespmem:$0x1D0];
	[tilespmem:$0x170] =	vst v1;
	v1 =	vadd.s32 v0, v58  }
0xab: {  	v62 =	vld [tilespmem:$0x1E0];
	[tilespmem:$0x180] =	vst v1;
	v1 =	vadd.s32 v0, v59  }
0xac: {  	v63 =	vld [tilespmem:$0x1F0];
	[tilespmem:$0x190] =	vst v1;
	v1 =	vadd.s32 v0, v60  }
0xad: {  	[tilespmem:$0x1A0] =	vst v1;
	v1 =	vadd.s32 v0, v2  }
0xae: {  	[tilespmem:$0x1B0] =	vst v1;
	v1 =	vadd.s32 v0, v3  }
0xaf: {  	[tilespmem:$0x1C0] =	vst v1;
	v1 =	vadd.s32 v0, v61  }
0xb0: {  	[tilespmem:$0x1D0] =	vst v1;
	v1 =	vadd.s32 v0, v62  }
0xb1: {  	[tilespmem:$0x1E0] =	vst v1;
	v1 =	vadd.s32 v0, v63  }
0xb2: {  	s4 =	simm.s32 @!p1 $0x6;
	[tilespmem:$0x1F0] =	vst v1  }
0xb3: {  	_ =	swait.ge @!p1 [sflag:s4], $0x8000  }
0xb4: {  	[sflag:s4] =	ssyncset.done @!p1 $0x0  }
0xb5: {  	s6 =	rddreg [dreg:$0x6];
	[sflag:s4] =	ssyncadd.s32 @!p1 $0xFFFF8000  }
0xb6: {  	[tilespmem:s21], [sflag:$0x4] =	stream.indirect.gather [spmem:s2], $0x80, s15, s17, $0xb8;
	[tilespmem:$0x14200] =	vst v63  }
0xb7: {  	s31 =	rddreg [dreg:$0x5]  }
0xb8: {  	[tilespmem:s31], [sflag:$0x4] =	stream.indirect.gather [spmem:s2], $0x80, s6, s17, $0xb8;
	[tilespmem:$0x14200] =	vst v63  }
0xb9: {  	_ =	swait.ge [sflag:s22], $0x4000  }
0xba: {  	[sflag:s22] =	ssyncset.done $0x0  }
0xbb: {  	[sflag:s22] =	ssyncadd.s32 $0xFFFFC000  }
0xbc: {  	_ =	swait.ge [sflag:s22], $0x4000  }
0xbd: {  	[sflag:s22] =	ssyncset.done $0x0  }
0xbe: {  	s4 =	simm.s32 @!p0 $0x100;
	[sflag:s22] =	ssyncadd.s32 $0xFFFFC000  }
0xbf: {  	[tilespmem:s4], [sflag:$0x2] =	stream.linear.gather @!p0 [hbm4b:s1+s0], $0x100, $0x38;
	[tilespmem:$0x14200] =	vst v63  }
0xc0: {  	s25 =	sadd.s32 $0x1, s25  }
0xc1: {  	[hbm4b:s26+s3] =	stream.linear.scatter [tilespmem:s21], [sflag:$0x6], $0x8000, $0x38;
	[tilespmem:$0x14200] =	vst v63  }
0xc2: {  	p0 =	sne.s32 s25, s9;
	_ =	swait.ge [sflag:s23], $0x8000  }
.Ltmp1:
0xc3: {  	[sflag:s23] =	ssyncset.done $0x0;
	(pc) =	sbr.rel @p0 .LBB2_1-.Ltmp1, $4  }
0xc4: {  	[sflag:s23] =	ssyncadd.s32 $0xFFFF8000  }
0xc5: {  	_ =	swait.ge [sflag:s24], $0x8000  }
0xc6: {  	[sflag:s24] =	ssyncset.done $0x0  }
0xc7: {  	[sflag:s24] =	ssyncadd.s32 $0xFFFF8000  }
0xc8: {  	_ =	sfence.sel $0x180000  }
0xc9: {  	[bflag:$0x0] =	sbarrier.arrive $0xFFFF  }
0xca: {  	_ =	strace $0x90000047  }
0xcb: {  	s0 =	stileid.u32;
	[bflag:$0x2] =	sbarrier.arrive $0xFFFF  }
0xcc: {  	p0 =	sne.s32 s0, $0x0;
	s0 =	rddreg [dreg:$0x3]  }
0xcd: {  	s0 =	sadd.s32 @!p0 $0x100000, s0  }
0xce: {  	[sflag:s0] =	ssyncadd.tile.s32 @!p0 $0x1;
	_ =	shalt  }
.Lfunc_end2:
_tile_overlayer_lowered:
.L_overlay_start_2:
0xcf: {  	(tag) =	ssettag $0x2  }
0xd0: {  	s0 =	rddreg [dreg:$0x0];
	s2 =	stileid.u32  }
0xd1: {  	s1 =	rddreg [dreg:$0x1];
	p0 =	sne.s32 s2, $0x0  }
0xd2: {  	s3 =	rddreg [dreg:$0x2];
	[bflag:$0x3] =	sbarrier.arrive $0xFFFF;
	s2 =	simm.s32 @!p0 $0x1C07  }
0xd3: {  	[timem:s3], [sflag:s2] =	dma.local @!p0 [hbm:s0], s1  }
0xd4: {  	s0 =	simm.s32 @!p0 $0x7  }
0xd5: {  	_ =	swait.ge @!p0 [sflag:s0], s1  }
0xd6: {  	s1 =	ssub.s32 @!p0 $0x0, s1;
	[sflag:s0] =	ssyncset.done @!p0 $0x0  }
0xd7: {  	[sflag:s0] =	ssyncadd.s32 @!p0 s1  }
0xd8: {  	[bflag:$0x3] =	sbarrier.arrive $0xFFFF  }
0xd9: {  	_ =	shalt  }

</sc_bundles>
